<compile_context>
chip_gen: v7x
topology: tpu7x:2x2x1
jax: 0.10.2.dev20260603
libtpu: 0.0.44.dev20260713+nightly
codegen_flags: <defaults>
</compile_context>

<pallas_src>
import functools

import jax
import jax.numpy as jnp
from jax import lax
from jax.experimental import pallas as pl
from jax.experimental.pallas import tpu as pltpu
from jax.experimental.pallas import tpu_sc as plsc

NC = 2
NS = 16
CHUNK = 128
HALF = 5000
HPAD = 5120
DUMP = HPAD - 1


def _sc_mesh():
    return plsc.VectorSubcoreMesh(core_axis_name="c", subcore_axis_name="s")


def _make_deg_kernel(npad, n_chunk_rows, rpt):
    cpt = n_chunk_rows // NC // NS
    assert rpt % 16 == 0

    @functools.partial(
        pl.kernel, mesh=_sc_mesh(),
        out_type=jax.ShapeDtypeStruct((NC, npad), jnp.float32),
        compiler_params=pltpu.CompilerParams(needs_layout_passes=False),
        scratch_types=[
            pltpu.VMEM((cpt, CHUNK), jnp.int32),
            pltpu.VMEM((npad,), jnp.float32),
            pltpu.VMEM((rpt,), jnp.float32),
            pltpu.VMEM((rpt,), jnp.float32),
            pltpu.VMEM_SHARED((NS, npad), jnp.float32),
        ],
    )
    def deg_kernel(col_hbm, zn_hbm, out_hbm, idx2d, cnt, tmp, accv, shared):
        cid = lax.axis_index("c")
        sid = lax.axis_index("s")
        cb = cid * (n_chunk_rows // NC) + sid * cpt
        pltpu.sync_copy(col_hbm.at[pl.ds(cb, cpt)], idx2d)
        pltpu.sync_copy(zn_hbm, cnt)
        ones16 = jnp.ones((16,), jnp.float32)

        def step(r, carry):
            for c in range(CHUNK // 16):
                idx = idx2d[r, pl.ds(c * 16, 16)]
                plsc.addupdate_scatter(cnt, [idx], ones16)
            return carry

        lax.fori_loop(0, cpt, step, 0)
        pltpu.sync_copy(cnt, shared.at[sid])
        plsc.subcore_barrier()
        pltpu.sync_copy(shared.at[0, pl.ds(sid * rpt, rpt)], accv)

        def red(t, carry):
            pltpu.sync_copy(shared.at[t, pl.ds(sid * rpt, rpt)], tmp)

            def vadd(v, c2):
                sl = pl.ds(v * 16, 16)
                accv[sl] = accv[sl] + tmp[sl]
                return c2

            lax.fori_loop(0, rpt // 16, vadd, 0)
            return carry

        lax.fori_loop(1, NS, red, 0)
        pltpu.sync_copy(accv, out_hbm.at[cid, pl.ds(sid * rpt, rpt)])

    return deg_kernel


def _make_agg_kernel(cr_core, rpt, npass=2):
    cpt = cr_core // NS
    assert cpt % 2 == 0

    @functools.partial(
        pl.kernel, mesh=_sc_mesh(),
        out_type=jax.ShapeDtypeStruct((NC, npass, HPAD, 128), jnp.float32),
        scratch_types=[
            pltpu.VMEM((cpt, CHUNK), jnp.int32),
            pltpu.VMEM((cpt, CHUNK), jnp.int32),
            pltpu.VMEM((CHUNK, 128), jnp.float32),
            pltpu.VMEM((CHUNK, 128), jnp.float32),
            pltpu.VMEM_SHARED((HPAD, 128), jnp.float32),
            pltpu.SemaphoreType.DMA,
            pltpu.SemaphoreType.DMA,
        ],
    )
    def agg_kernel(table_hbm, row_hbm, col_hbm, z_hbm, out_hbm,
                   row_v, col_v, g0, g1, acc, sem0, sem1):
        cid = lax.axis_index("c")
        sid = lax.axis_index("s")
        cb = sid * cpt
        pltpu.sync_copy(row_hbm.at[cid, pl.ds(cb, cpt)], row_v)

        for p in range(npass):
            pltpu.sync_copy(col_hbm.at[p, cid, pl.ds(cb, cpt)], col_v)
            pltpu.sync_copy(z_hbm.at[pl.ds(sid * rpt, rpt)],
                            acc.at[pl.ds(sid * rpt, rpt)])
            plsc.subcore_barrier()

            pltpu.async_copy(table_hbm.at[row_v.at[0]], g0, sem0)

            def step(j, carry):
                i0 = 2 * j
                i1 = 2 * j + 1
                pltpu.async_copy(table_hbm.at[row_v.at[i1]], g1, sem1)
                pltpu.make_async_copy(
                    table_hbm.at[row_v.at[i0]], g0, sem0).wait()
                pltpu.sync_copy(g0, acc.at[col_v.at[i0]], add=True)

                @pl.when(j < cpt // 2 - 1)
                def _():
                    pltpu.async_copy(table_hbm.at[row_v.at[i0 + 2]], g0, sem0)

                pltpu.make_async_copy(
                    table_hbm.at[row_v.at[i1]], g1, sem1).wait()
                pltpu.sync_copy(g1, acc.at[col_v.at[i1]], add=True)
                return carry

            lax.fori_loop(0, cpt // 2, step, 0)
            plsc.subcore_barrier()
            pltpu.sync_copy(acc.at[pl.ds(sid * rpt, rpt)],
                            out_hbm.at[cid, p, pl.ds(sid * rpt, rpt)])

    return agg_kernel


def kernel(x, edge_index, W1, b1, W2, b2):
    n, f_in = x.shape
    h_dim = W1.shape[1]
    c_dim = W2.shape[1]
    e = edge_index.shape[1]
    fh = h_dim // 2
    assert f_in % 128 == 0 and fh == 128 and n == 2 * HALF

    npad = (n + 1 + 255) // 256 * 256
    rpt_deg = npad // NS
    rpt = HPAD // NS
    epad = (e + CHUNK * 32 - 1) // (CHUNK * 32) * (CHUNK * 32)
    ncr = epad // CHUNK
    bn = 1000
    n_row_blocks = n // bn
    pb = HALF // bn

    ei = edge_index.astype(jnp.int32)
    pad_e = epad - e
    row_p = jnp.concatenate([ei[0], jnp.zeros((pad_e,), jnp.int32)])
    col_p = jnp.concatenate([ei[1], jnp.full((pad_e,), n, jnp.int32)])
    col2d = col_p.reshape(ncr, CHUNK)
    dumps = HALF + jnp.arange(epad, dtype=jnp.int32) % (HPAD - HALF)
    cm = [jnp.where((col_p >= p * HALF) & (col_p < (p + 1) * HALF),
                    col_p - p * HALF, dumps).reshape(ncr, CHUNK)
          for p in range(2)]
    row_l1 = jnp.stack([row_p, row_p + n]).reshape(NC, ncr, CHUNK)
    col_l1 = jnp.broadcast_to(jnp.stack(cm)[:, None], (2, NC, ncr, CHUNK))
    v_raw = col_p // HALF
    v2 = jnp.minimum(v_raw, 1)
    col2 = jnp.where(v_raw >= 2, DUMP, col_p - v2 * HALF)
    row_l2 = (row_p + v2 * n).reshape(NC, ncr // 2, CHUNK)
    col_l2 = col2.reshape(1, NC, ncr // 2, CHUNK)
    zn = jnp.zeros((npad,), jnp.float32)
    zf = jnp.zeros((HPAD, 128), jnp.float32)
    b1r = b1.reshape(1, h_dim)
    b2r = b2.reshape(1, c_dim)

    deg_parts = _make_deg_kernel(npad, ncr, rpt_deg)(col2d, zn)
    deg_cnt = deg_parts[:, :n, None]

    def xw1_body(x_ref, w_ref, dp_ref, xws_ref, d_ref):
        cnt = dp_ref[0] + dp_ref[1]
        dd = lax.rsqrt(cnt + 2.0)
        xw = jnp.dot(x_ref[...], w_ref[...], preferred_element_type=jnp.float32)
        xws_ref[0] = xw * dd
        d_ref[...] = dd

    xws1, d_vec = pl.pallas_call(
        xw1_body,
        grid=(2, n_row_blocks),
        in_specs=[
            pl.BlockSpec((bn, f_in), lambda j, i: (i, 0)),
            pl.BlockSpec((f_in, fh), lambda j, i: (0, j)),
            pl.BlockSpec((NC, bn, 1), lambda j, i: (0, i, 0)),
        ],
        out_specs=[
            pl.BlockSpec((1, bn, fh), lambda j, i: (j, i, 0)),
            pl.BlockSpec((bn, 1), lambda j, i: (i, 0)),
        ],
        out_shape=[
            jax.ShapeDtypeStruct((2, n, fh), jnp.float32),
            jax.ShapeDtypeStruct((n, 1), jnp.float32),
        ],
    )(x, W1, deg_cnt)

    xws1_flat = xws1.reshape(2 * n, fh)
    agg1 = _make_agg_kernel(ncr, rpt)(xws1_flat, row_l1, col_l1, zf)

    def layer2_body(agg_ref, xws_ref, d_ref, b1_ref, w2_ref, out_ref):
        dd = d_ref[...]
        h0 = jnp.maximum(
            dd * (agg_ref[0, 0] + 2.0 * xws_ref[0]) + b1_ref[0:1, :fh], 0.0)
        h1 = jnp.maximum(
            dd * (agg_ref[1, 0] + 2.0 * xws_ref[1]) + b1_ref[0:1, fh:], 0.0)
        xw2 = (jnp.dot(h0, w2_ref[:fh, :], preferred_element_type=jnp.float32)
               + jnp.dot(h1, w2_ref[fh:, :], preferred_element_type=jnp.float32))
        v = dd * xw2
        zc = jnp.zeros((bn, 64 - c_dim), jnp.float32)
        z64 = jnp.zeros((bn, 64), jnp.float32)
        out_ref[0] = jnp.concatenate([v, zc, z64], axis=1)
        out_ref[1] = jnp.concatenate([z64, v, zc], axis=1)

    xws2 = pl.pallas_call(
        layer2_body,
        grid=(n_row_blocks,),
        in_specs=[
            pl.BlockSpec((NC, 1, bn, fh), lambda i: (0, i // pb, i % pb, 0)),
            pl.BlockSpec((2, bn, fh), lambda i: (0, i, 0)),
            pl.BlockSpec((bn, 1), lambda i: (i, 0)),
            pl.BlockSpec((1, h_dim), lambda i: (0, 0)),
            pl.BlockSpec((h_dim, c_dim), lambda i: (0, 0)),
        ],
        out_specs=pl.BlockSpec((2, bn, 128), lambda i: (0, i, 0)),
        out_shape=jax.ShapeDtypeStruct((2, n, 128), jnp.float32),
    )(agg1, xws1, d_vec, b1r, W2)

    xws2_flat = xws2.reshape(2 * n, 128)
    agg2 = _make_agg_kernel(ncr // 2, rpt, npass=1)(
        xws2_flat, row_l2, col_l2, zf)

    def out_body(agg_ref, xws_ref, d_ref, b2_ref, out_ref):
        dd = d_ref[...]
        hi = pl.program_id(0) >= pb
        a = agg_ref[0, 0] + agg_ref[1, 0]
        ag = jnp.where(hi, a[:, 64:64 + c_dim], a[:, :c_dim])
        xw = jnp.where(hi, xws_ref[0][:, 64:64 + c_dim], xws_ref[0][:, :c_dim])
        z = dd * (ag + 2.0 * xw) + b2_ref[...]
        m = jnp.max(z, axis=1, keepdims=True)
        lse = jnp.log(jnp.sum(jnp.exp(z - m), axis=1, keepdims=True))
        out_ref[...] = z - m - lse

    out = pl.pallas_call(
        out_body,
        grid=(n_row_blocks,),
        in_specs=[
            pl.BlockSpec((NC, 1, bn, 128), lambda i: (0, 0, i % pb, 0)),
            pl.BlockSpec((1, bn, 128), lambda i: (i // pb, i, 0)),
            pl.BlockSpec((bn, 1), lambda i: (i, 0)),
            pl.BlockSpec((1, c_dim), lambda i: (0, 0)),
        ],
        out_specs=pl.BlockSpec((bn, c_dim), lambda i: (i, 0)),
        out_shape=jax.ShapeDtypeStruct((n, c_dim), jnp.float32),
    )(agg2, xws2, d_vec, b2r)

    return out

# --- scband reference (transcript-rebuilt; emitter-appended) ---
"""Pipeline reference for scband-gcn-43774306681055 (READ-ONLY COPY).

The authoritative reference and input builder live on the scoring server;
editing this copy changes nothing except your own understanding.
"""

import jax, jax.numpy as jnp
import numpy as np

N, E, F_IN, H, C = 10000, 160000, 256, 256, 40


def add_self_loops(edge_index, n):
    loop = jnp.arange(n, dtype=edge_index.dtype)
    loops = jnp.stack([loop, loop], axis=0)
    return jnp.concatenate([edge_index, loops], axis=1)


def gcn_conv(x, edge_index, W, b, n):
    # PyG GCNConv: gcn_norm adds self-loops internally, then D^-1/2 (A+I) D^-1/2 X W + b
    ei = add_self_loops(edge_index, n)
    row, col = ei[0], ei[1]
    ew = jnp.ones(ei.shape[1], dtype=x.dtype)
    deg = jax.ops.segment_sum(ew, col, num_segments=n)
    deg_inv_sqrt = jnp.where(deg > 0, 1.0 / jnp.sqrt(deg), 0.0)
    norm = deg_inv_sqrt[row] * deg_inv_sqrt[col]
    xw = x @ W
    out = jax.ops.segment_sum(norm[:, None] * xw[row], col, num_segments=n)
    return out + b


def setup_inputs(seed: int = 0) -> dict:
    key = jax.random.key(seed)
    k1, k2, k3, k4 = jax.random.split(key, 4)
    x = jax.random.normal(k1, (N, F_IN), dtype=jnp.float32)
    edge_index = jax.random.randint(k2, (2, E), 0, N)
    W1 = jax.random.normal(k3, (F_IN, H), dtype=jnp.float32) * (1.0 / np.sqrt(F_IN))
    b1 = jnp.zeros((H,), dtype=jnp.float32)
    W2 = jax.random.normal(k4, (H, C), dtype=jnp.float32) * (1.0 / np.sqrt(H))
    b2 = jnp.zeros((C,), dtype=jnp.float32)
    return {"x": x, "edge_index": edge_index, "W1": W1, "b1": b1, "W2": W2, "b2": b2}


def reference(x, edge_index, W1, b1, W2, b2):
    n = x.shape[0]
    # forward() explicitly calls add_self_loops before the convs
    ei = add_self_loops(edge_index, n)
    h = gcn_conv(x, ei, W1, b1, n)
    h = jax.nn.relu(h)
    # F.dropout(training=self.training): identity in eval mode
    h = gcn_conv(h, ei, W2, b2, n)
    return jax.nn.log_softmax(h, axis=1)

if __name__ == "__main__":
    import jax
    _d = setup_inputs()
    print(jax.jit(kernel)(*tuple(_d.values())))

</pallas_src>

<mosaic_0001>
#map = affine_map<(d0, d1) -> (0, 0)>
#map1 = affine_map<(d0, d1) -> (0, 0, 0)>
#map2 = affine_map<(d0, d1) -> (0, 0, 0, 0)>
module attributes {stable_mosaic.version = 14 : i64} {
  func.func @agg_kernel(%arg0: i32, %arg1: i32, %arg2: memref<20000x128xf32, #tpu.memory_space<hbm>>, %arg3: memref<2x640x128xi32, #tpu.memory_space<hbm>>, %arg4: memref<1x2x640x128xi32, #tpu.memory_space<hbm>>, %arg5: memref<5120x128xf32, #tpu.memory_space<hbm>>, %arg6: memref<2x1x5120x128xf32, #tpu.memory_space<hbm>>, %arg7: memref<40x128xi32, #tpu.memory_space<vmem>>, %arg8: memref<40x128xi32, #tpu.memory_space<vmem>>, %arg9: memref<128x128xf32, #tpu.memory_space<vmem>>, %arg10: memref<128x128xf32, #tpu.memory_space<vmem>>, %arg11: memref<5120x128xf32, #tpu.memory_space<vmem_shared>>, %arg12: memref<!tpu.dma_semaphore, #tpu.memory_space<semaphore_mem>>, %arg13: memref<!tpu.dma_semaphore, #tpu.memory_space<semaphore_mem>>) attributes {dimension_semantics = [#tpu.dimension_semantics<core_parallel>, #tpu.dimension_semantics<subcore_parallel>], iteration_bounds = array<i64: 2, 16>, scalar_prefetch = 0 : i64, scratch_operands = 7 : i64, tpu.core_type = #tpu.core_type<sc_vector_subcore>, window_params = [{transform_indices = #map}, {transform_indices = #map1}, {transform_indices = #map2}, {transform_indices = #map}, {transform_indices = #map2}]} {
    %mul3A = arith.constant 40 : i32
    %mul3A_0 = arith.muli %arg1, %mul3A : i32
    "tpu.region"() ({
      %run_scoped3A_22 = tpu.sem_alloc : memref<!tpu.dma_semaphore, #tpu.memory_space<semaphore_mem>>
      %dma_start3A_23 = arith.constant 0 : i32
      %dma_start3A_24 = tpu.memref_slice %arg3[%arg0, %mul3A_0, %dma_start3A_23] : memref<2x640x128xi32, #tpu.memory_space<hbm>> -> memref<1x40x128xi32, #tpu.memory_space<hbm>>
      %dma_start3A_25 = tpu.memref_squeeze %dma_start3A_24 : memref<1x40x128xi32, #tpu.memory_space<hbm>> -> memref<40x128xi32, #tpu.memory_space<hbm>>
      %dma_start3A_26 = arith.constant 0 : i32
      %dma_start3A_27 = tpu.memref_slice %arg3[%arg0, %mul3A_0, %dma_start3A_26] : memref<2x640x128xi32, #tpu.memory_space<hbm>> -> memref<1x40x128xi32, #tpu.memory_space<hbm>>
      %dma_start3A_28 = tpu.memref_squeeze %dma_start3A_27 : memref<1x40x128xi32, #tpu.memory_space<hbm>> -> memref<40x128xi32, #tpu.memory_space<hbm>>
      tpu.enqueue_dma source(%dma_start3A_28 : memref<40x128xi32, #tpu.memory_space<hbm>>) target(%arg7 : memref<40x128xi32, #tpu.memory_space<vmem>>) target_semaphore(%run_scoped3A_22 : memref<!tpu.dma_semaphore, #tpu.memory_space<semaphore_mem>>)
      %dma_wait3A = arith.constant 0 : i32
      %dma_wait3A_29 = tpu.memref_slice %arg3[%arg0, %mul3A_0, %dma_wait3A] : memref<2x640x128xi32, #tpu.memory_space<hbm>> -> memref<1x40x128xi32, #tpu.memory_space<hbm>>
      %dma_wait3A_30 = tpu.memref_squeeze %dma_wait3A_29 : memref<1x40x128xi32, #tpu.memory_space<hbm>> -> memref<40x128xi32, #tpu.memory_space<hbm>>
      %dma_wait3A_31 = arith.constant 0 : i32
      %dma_wait3A_32 = tpu.memref_slice %arg3[%arg0, %mul3A_0, %dma_wait3A_31] : memref<2x640x128xi32, #tpu.memory_space<hbm>> -> memref<1x40x128xi32, #tpu.memory_space<hbm>>
      %dma_wait3A_33 = tpu.memref_squeeze %dma_wait3A_32 : memref<1x40x128xi32, #tpu.memory_space<hbm>> -> memref<40x128xi32, #tpu.memory_space<hbm>>
      tpu.wait_dma2 semaphore(%run_scoped3A_22 : memref<!tpu.dma_semaphore, #tpu.memory_space<semaphore_mem>>) src(%dma_wait3A_33 : memref<40x128xi32, #tpu.memory_space<hbm>>) dst(%arg7 : memref<40x128xi32, #tpu.memory_space<vmem>>)
      tpu.yield
    }) : () -> ()
    %run_scoped3A = arith.constant 0 : i32
    "tpu.region"() ({
      %run_scoped3A_22 = tpu.sem_alloc : memref<!tpu.dma_semaphore, #tpu.memory_space<semaphore_mem>>
      %dma_start3A_23 = arith.constant 0 : i32
      %dma_start3A_24 = tpu.memref_slice %arg4[%run_scoped3A, %arg0, %mul3A_0, %dma_start3A_23] : memref<1x2x640x128xi32, #tpu.memory_space<hbm>> -> memref<1x1x40x128xi32, #tpu.memory_space<hbm>>
      %dma_start3A_25 = tpu.memref_squeeze %dma_start3A_24 : memref<1x1x40x128xi32, #tpu.memory_space<hbm>> -> memref<40x128xi32, #tpu.memory_space<hbm>>
      %dma_start3A_26 = arith.constant 0 : i32
      %dma_start3A_27 = tpu.memref_slice %arg4[%run_scoped3A, %arg0, %mul3A_0, %dma_start3A_26] : memref<1x2x640x128xi32, #tpu.memory_space<hbm>> -> memref<1x1x40x128xi32, #tpu.memory_space<hbm>>
      %dma_start3A_28 = tpu.memref_squeeze %dma_start3A_27 : memref<1x1x40x128xi32, #tpu.memory_space<hbm>> -> memref<40x128xi32, #tpu.memory_space<hbm>>
      tpu.enqueue_dma source(%dma_start3A_28 : memref<40x128xi32, #tpu.memory_space<hbm>>) target(%arg8 : memref<40x128xi32, #tpu.memory_space<vmem>>) target_semaphore(%run_scoped3A_22 : memref<!tpu.dma_semaphore, #tpu.memory_space<semaphore_mem>>)
      %dma_wait3A = arith.constant 0 : i32
      %dma_wait3A_29 = tpu.memref_slice %arg4[%run_scoped3A, %arg0, %mul3A_0, %dma_wait3A] : memref<1x2x640x128xi32, #tpu.memory_space<hbm>> -> memref<1x1x40x128xi32, #tpu.memory_space<hbm>>
      %dma_wait3A_30 = tpu.memref_squeeze %dma_wait3A_29 : memref<1x1x40x128xi32, #tpu.memory_space<hbm>> -> memref<40x128xi32, #tpu.memory_space<hbm>>
      %dma_wait3A_31 = arith.constant 0 : i32
      %dma_wait3A_32 = tpu.memref_slice %arg4[%run_scoped3A, %arg0, %mul3A_0, %dma_wait3A_31] : memref<1x2x640x128xi32, #tpu.memory_space<hbm>> -> memref<1x1x40x128xi32, #tpu.memory_space<hbm>>
      %dma_wait3A_33 = tpu.memref_squeeze %dma_wait3A_32 : memref<1x1x40x128xi32, #tpu.memory_space<hbm>> -> memref<40x128xi32, #tpu.memory_space<hbm>>
      tpu.wait_dma2 semaphore(%run_scoped3A_22 : memref<!tpu.dma_semaphore, #tpu.memory_space<semaphore_mem>>) src(%dma_wait3A_33 : memref<40x128xi32, #tpu.memory_space<hbm>>) dst(%arg8 : memref<40x128xi32, #tpu.memory_space<vmem>>)
      tpu.yield
    }) : () -> ()
    %mul3A_1 = arith.constant 320 : i32
    %mul3A_2 = arith.muli %arg1, %mul3A_1 : i32
    %mul3A_3 = arith.constant 320 : i32
    %mul3A_4 = arith.muli %arg1, %mul3A_3 : i32
    "tpu.region"() ({
      %run_scoped3A_22 = tpu.sem_alloc : memref<!tpu.dma_semaphore, #tpu.memory_space<semaphore_mem>>
      %dma_start3A_23 = arith.constant 0 : i32
      %dma_start3A_24 = tpu.memref_slice %arg11[%mul3A_4, %dma_start3A_23] : memref<5120x128xf32, #tpu.memory_space<vmem_shared>> -> memref<320x128xf32, #tpu.memory_space<vmem_shared>>
      %dma_start3A_25 = arith.constant 0 : i32
      %dma_start3A_26 = tpu.memref_slice %arg5[%mul3A_2, %dma_start3A_25] : memref<5120x128xf32, #tpu.memory_space<hbm>> -> memref<320x128xf32, #tpu.memory_space<hbm>>
      tpu.enqueue_dma source(%dma_start3A_26 : memref<320x128xf32, #tpu.memory_space<hbm>>) target(%dma_start3A_24 : memref<320x128xf32, #tpu.memory_space<vmem_shared>>) target_semaphore(%run_scoped3A_22 : memref<!tpu.dma_semaphore, #tpu.memory_space<semaphore_mem>>)
      %dma_wait3A = arith.constant 0 : i32
      %dma_wait3A_27 = tpu.memref_slice %arg11[%mul3A_4, %dma_wait3A] : memref<5120x128xf32, #tpu.memory_space<vmem_shared>> -> memref<320x128xf32, #tpu.memory_space<vmem_shared>>
      %dma_wait3A_28 = arith.constant 0 : i32
      %dma_wait3A_29 = tpu.memref_slice %arg5[%mul3A_2, %dma_wait3A_28] : memref<5120x128xf32, #tpu.memory_space<hbm>> -> memref<320x128xf32, #tpu.memory_space<hbm>>
      tpu.wait_dma2 semaphore(%run_scoped3A_22 : memref<!tpu.dma_semaphore, #tpu.memory_space<semaphore_mem>>) src(%dma_wait3A_29 : memref<320x128xf32, #tpu.memory_space<hbm>>) dst(%dma_wait3A_27 : memref<320x128xf32, #tpu.memory_space<vmem_shared>>)
      tpu.yield
    }) : () -> ()
    %barrier3A = arith.constant 0 : index
    tpu.barrier barrier_id(%barrier3A)
    %dma_start3A = arith.constant 0 : i32
    %dma_start3A_5 = arith.constant 0 : i32
    %dma_start3A_6 = tpu.memref_slice %arg7[%dma_start3A, %dma_start3A_5] : memref<40x128xi32, #tpu.memory_space<vmem>> -> memref<1x128xi32, #tpu.memory_space<vmem>>
    %dma_start3A_7 = tpu.memref_squeeze %dma_start3A_6 : memref<1x128xi32, #tpu.memory_space<vmem>> -> memref<128xi32, #tpu.memory_space<vmem>>
    %dma_start3A_8 = arith.constant 0 : i32
    %dma_start3A_9 = arith.constant 0 : i32
    %dma_start3A_10 = tpu.memref_slice %arg2[%dma_start3A_8, %dma_start3A_9] : memref<20000x128xf32, #tpu.memory_space<hbm>> -> memref<20000x128xf32, #tpu.memory_space<hbm>>
    tpu.enqueue_indirect_dma source(%dma_start3A_10 : memref<20000x128xf32, #tpu.memory_space<hbm>>) target(%arg9 : memref<128x128xf32, #tpu.memory_space<vmem>>) offsets(%dma_start3A_7 : memref<128xi32, #tpu.memory_space<vmem>>) semaphore(%arg12 : memref<!tpu.dma_semaphore, #tpu.memory_space<semaphore_mem>>)
    %scan3A = arith.constant 0 : i32
    %scan3A_11 = arith.constant 0 : i32
    %scan3A_12 = arith.constant 20 : i32
    %scan3A_13 = arith.addi %scan3A_11, %scan3A_12 : i32
    %scan3A_14 = arith.constant 1 : i32
    scf.for %scan3A_22 = %scan3A_11 to %scan3A_13 step %scan3A_14  : i32 {
      %mul3A_23 = arith.constant 2 : i32
      %mul3A_24 = arith.muli %mul3A_23, %scan3A_22 : i32
      %mul3A_25 = arith.constant 2 : i32
      %mul3A_26 = arith.muli %mul3A_25, %scan3A_22 : i32
      %add3A = arith.constant 1 : i32
      %add3A_27 = arith.addi %mul3A_26, %add3A : i32
      %dma_start3A_28 = arith.constant 0 : i32
      %dma_start3A_29 = tpu.memref_slice %arg7[%add3A_27, %dma_start3A_28] : memref<40x128xi32, #tpu.memory_space<vmem>> -> memref<1x128xi32, #tpu.memory_space<vmem>>
      %dma_start3A_30 = tpu.memref_squeeze %dma_start3A_29 : memref<1x128xi32, #tpu.memory_space<vmem>> -> memref<128xi32, #tpu.memory_space<vmem>>
      %dma_start3A_31 = arith.constant 0 : i32
      %dma_start3A_32 = arith.constant 0 : i32
      %dma_start3A_33 = tpu.memref_slice %arg2[%dma_start3A_31, %dma_start3A_32] : memref<20000x128xf32, #tpu.memory_space<hbm>> -> memref<20000x128xf32, #tpu.memory_space<hbm>>
      tpu.enqueue_indirect_dma source(%dma_start3A_33 : memref<20000x128xf32, #tpu.memory_space<hbm>>) target(%arg10 : memref<128x128xf32, #tpu.memory_space<vmem>>) offsets(%dma_start3A_30 : memref<128xi32, #tpu.memory_space<vmem>>) semaphore(%arg13 : memref<!tpu.dma_semaphore, #tpu.memory_space<semaphore_mem>>)
      %dma_wait3A = arith.constant 0 : i32
      %dma_wait3A_34 = tpu.memref_slice %arg7[%mul3A_24, %dma_wait3A] : memref<40x128xi32, #tpu.memory_space<vmem>> -> memref<1x128xi32, #tpu.memory_space<vmem>>
      %dma_wait3A_35 = tpu.memref_squeeze %dma_wait3A_34 : memref<1x128xi32, #tpu.memory_space<vmem>> -> memref<128xi32, #tpu.memory_space<vmem>>
      %dma_wait3A_36 = arith.constant 0 : i32
      %dma_wait3A_37 = arith.constant 0 : i32
      %dma_wait3A_38 = tpu.memref_slice %arg2[%dma_wait3A_36, %dma_wait3A_37] : memref<20000x128xf32, #tpu.memory_space<hbm>> -> memref<20000x128xf32, #tpu.memory_space<hbm>>
      tpu.wait_indirect_dma semaphore(%arg12 : memref<!tpu.dma_semaphore, #tpu.memory_space<semaphore_mem>>) src(%dma_wait3A_38 : memref<20000x128xf32, #tpu.memory_space<hbm>>) dst(%arg9 : memref<128x128xf32, #tpu.memory_space<vmem>>)
      "tpu.region"() ({
        %run_scoped3A_47 = tpu.sem_alloc : memref<!tpu.dma_semaphore, #tpu.memory_space<semaphore_mem>>
        %dma_start3A_48 = arith.constant 0 : i32
        %dma_start3A_49 = tpu.memref_slice %arg8[%mul3A_24, %dma_start3A_48] : memref<40x128xi32, #tpu.memory_space<vmem>> -> memref<1x128xi32, #tpu.memory_space<vmem>>
        %dma_start3A_50 = tpu.memref_squeeze %dma_start3A_49 : memref<1x128xi32, #tpu.memory_space<vmem>> -> memref<128xi32, #tpu.memory_space<vmem>>
        %dma_start3A_51 = arith.constant 0 : i32
        %dma_start3A_52 = arith.constant 0 : i32
        %dma_start3A_53 = tpu.memref_slice %arg11[%dma_start3A_51, %dma_start3A_52] : memref<5120x128xf32, #tpu.memory_space<vmem_shared>> -> memref<5120x128xf32, #tpu.memory_space<vmem_shared>>
        tpu.enqueue_indirect_dma source(%arg9 : memref<128x128xf32, #tpu.memory_space<vmem>>) target(%dma_start3A_53 : memref<5120x128xf32, #tpu.memory_space<vmem_shared>>) offsets(%dma_start3A_50 : memref<128xi32, #tpu.memory_space<vmem>>) semaphore(%run_scoped3A_47 : memref<!tpu.dma_semaphore, #tpu.memory_space<semaphore_mem>>) {add = true}
        %dma_wait3A_54 = arith.constant 0 : i32
        %dma_wait3A_55 = tpu.memref_slice %arg8[%mul3A_24, %dma_wait3A_54] : memref<40x128xi32, #tpu.memory_space<vmem>> -> memref<1x128xi32, #tpu.memory_space<vmem>>
        %dma_wait3A_56 = tpu.memref_squeeze %dma_wait3A_55 : memref<1x128xi32, #tpu.memory_space<vmem>> -> memref<128xi32, #tpu.memory_space<vmem>>
        %dma_wait3A_57 = arith.constant 0 : i32
        %dma_wait3A_58 = arith.constant 0 : i32
        %dma_wait3A_59 = tpu.memref_slice %arg11[%dma_wait3A_57, %dma_wait3A_58] : memref<5120x128xf32, #tpu.memory_space<vmem_shared>> -> memref<5120x128xf32, #tpu.memory_space<vmem_shared>>
        tpu.wait_indirect_dma semaphore(%run_scoped3A_47 : memref<!tpu.dma_semaphore, #tpu.memory_space<semaphore_mem>>) src(%arg9 : memref<128x128xf32, #tpu.memory_space<vmem>>) dst(%dma_wait3A_59 : memref<5120x128xf32, #tpu.memory_space<vmem_shared>>)
        tpu.yield
      }) : () -> ()
      %lt3A = arith.constant 19 : i32
      %lt3A_39 = arith.cmpi slt, %scan3A_22, %lt3A : i32
      %convert_element_type3A = arith.extui %lt3A_39 : i1 to i32
      %cond3A = arith.constant 0 : i32
      %cond3A_40 = arith.cmpi ne, %convert_element_type3A, %cond3A : i32
      scf.if %cond3A_40 {
        %add3A_47 = arith.constant 2 : i32
        %add3A_48 = arith.addi %mul3A_24, %add3A_47 : i32
        %dma_start3A_49 = arith.constant 0 : i32
        %dma_start3A_50 = tpu.memref_slice %arg7[%add3A_48, %dma_start3A_49] : memref<40x128xi32, #tpu.memory_space<vmem>> -> memref<1x128xi32, #tpu.memory_space<vmem>>
        %dma_start3A_51 = tpu.memref_squeeze %dma_start3A_50 : memref<1x128xi32, #tpu.memory_space<vmem>> -> memref<128xi32, #tpu.memory_space<vmem>>
        %dma_start3A_52 = arith.constant 0 : i32
        %dma_start3A_53 = arith.constant 0 : i32
        %dma_start3A_54 = tpu.memref_slice %arg2[%dma_start3A_52, %dma_start3A_53] : memref<20000x128xf32, #tpu.memory_space<hbm>> -> memref<20000x128xf32, #tpu.memory_space<hbm>>
        tpu.enqueue_indirect_dma source(%dma_start3A_54 : memref<20000x128xf32, #tpu.memory_space<hbm>>) target(%arg9 : memref<128x128xf32, #tpu.memory_space<vmem>>) offsets(%dma_start3A_51 : memref<128xi32, #tpu.memory_space<vmem>>) semaphore(%arg12 : memref<!tpu.dma_semaphore, #tpu.memory_space<semaphore_mem>>)
      } else {
      }
      %dma_wait3A_41 = arith.constant 0 : i32
      %dma_wait3A_42 = tpu.memref_slice %arg7[%add3A_27, %dma_wait3A_41] : memref<40x128xi32, #tpu.memory_space<vmem>> -> memref<1x128xi32, #tpu.memory_space<vmem>>
      %dma_wait3A_43 = tpu.memref_squeeze %dma_wait3A_42 : memref<1x128xi32, #tpu.memory_space<vmem>> -> memref<128xi32, #tpu.memory_space<vmem>>
      %dma_wait3A_44 = arith.constant 0 : i32
      %dma_wait3A_45 = arith.constant 0 : i32
      %dma_wait3A_46 = tpu.memref_slice %arg2[%dma_wait3A_44, %dma_wait3A_45] : memref<20000x128xf32, #tpu.memory_space<hbm>> -> memref<20000x128xf32, #tpu.memory_space<hbm>>
      tpu.wait_indirect_dma semaphore(%arg13 : memref<!tpu.dma_semaphore, #tpu.memory_space<semaphore_mem>>) src(%dma_wait3A_46 : memref<20000x128xf32, #tpu.memory_space<hbm>>) dst(%arg10 : memref<128x128xf32, #tpu.memory_space<vmem>>)
      "tpu.region"() ({
        %run_scoped3A_47 = tpu.sem_alloc : memref<!tpu.dma_semaphore, #tpu.memory_space<semaphore_mem>>
        %dma_start3A_48 = arith.constant 0 : i32
        %dma_start3A_49 = tpu.memref_slice %arg8[%add3A_27, %dma_start3A_48] : memref<40x128xi32, #tpu.memory_space<vmem>> -> memref<1x128xi32, #tpu.memory_space<vmem>>
        %dma_start3A_50 = tpu.memref_squeeze %dma_start3A_49 : memref<1x128xi32, #tpu.memory_space<vmem>> -> memref<128xi32, #tpu.memory_space<vmem>>
        %dma_start3A_51 = arith.constant 0 : i32
        %dma_start3A_52 = arith.constant 0 : i32
        %dma_start3A_53 = tpu.memref_slice %arg11[%dma_start3A_51, %dma_start3A_52] : memref<5120x128xf32, #tpu.memory_space<vmem_shared>> -> memref<5120x128xf32, #tpu.memory_space<vmem_shared>>
        tpu.enqueue_indirect_dma source(%arg10 : memref<128x128xf32, #tpu.memory_space<vmem>>) target(%dma_start3A_53 : memref<5120x128xf32, #tpu.memory_space<vmem_shared>>) offsets(%dma_start3A_50 : memref<128xi32, #tpu.memory_space<vmem>>) semaphore(%run_scoped3A_47 : memref<!tpu.dma_semaphore, #tpu.memory_space<semaphore_mem>>) {add = true}
        %dma_wait3A_54 = arith.constant 0 : i32
        %dma_wait3A_55 = tpu.memref_slice %arg8[%add3A_27, %dma_wait3A_54] : memref<40x128xi32, #tpu.memory_space<vmem>> -> memref<1x128xi32, #tpu.memory_space<vmem>>
        %dma_wait3A_56 = tpu.memref_squeeze %dma_wait3A_55 : memref<1x128xi32, #tpu.memory_space<vmem>> -> memref<128xi32, #tpu.memory_space<vmem>>
        %dma_wait3A_57 = arith.constant 0 : i32
        %dma_wait3A_58 = arith.constant 0 : i32
        %dma_wait3A_59 = tpu.memref_slice %arg11[%dma_wait3A_57, %dma_wait3A_58] : memref<5120x128xf32, #tpu.memory_space<vmem_shared>> -> memref<5120x128xf32, #tpu.memory_space<vmem_shared>>
        tpu.wait_indirect_dma semaphore(%run_scoped3A_47 : memref<!tpu.dma_semaphore, #tpu.memory_space<semaphore_mem>>) src(%arg10 : memref<128x128xf32, #tpu.memory_space<vmem>>) dst(%dma_wait3A_59 : memref<5120x128xf32, #tpu.memory_space<vmem_shared>>)
        tpu.yield
      }) : () -> ()
    }
    %scan3A_15 = arith.constant 20 : i32
    %barrier3A_16 = arith.constant 0 : index
    tpu.barrier barrier_id(%barrier3A_16)
    %mul3A_17 = arith.constant 320 : i32
    %mul3A_18 = arith.muli %arg1, %mul3A_17 : i32
    %mul3A_19 = arith.constant 320 : i32
    %mul3A_20 = arith.muli %arg1, %mul3A_19 : i32
    %run_scoped3A_21 = arith.constant 0 : i32
    "tpu.region"() ({
      %run_scoped3A_22 = tpu.sem_alloc : memref<!tpu.dma_semaphore, #tpu.memory_space<semaphore_mem>>
      %dma_start3A_23 = arith.constant 0 : i32
      %dma_start3A_24 = tpu.memref_slice %arg6[%arg0, %run_scoped3A_21, %mul3A_20, %dma_start3A_23] : memref<2x1x5120x128xf32, #tpu.memory_space<hbm>> -> memref<1x1x320x128xf32, #tpu.memory_space<hbm>>
      %dma_start3A_25 = tpu.memref_squeeze %dma_start3A_24 : memref<1x1x320x128xf32, #tpu.memory_space<hbm>> -> memref<320x128xf32, #tpu.memory_space<hbm>>
      %dma_start3A_26 = arith.constant 0 : i32
      %dma_start3A_27 = tpu.memref_slice %arg11[%mul3A_18, %dma_start3A_26] : memref<5120x128xf32, #tpu.memory_space<vmem_shared>> -> memref<320x128xf32, #tpu.memory_space<vmem_shared>>
      tpu.enqueue_dma source(%dma_start3A_27 : memref<320x128xf32, #tpu.memory_space<vmem_shared>>) target(%dma_start3A_25 : memref<320x128xf32, #tpu.memory_space<hbm>>) target_semaphore(%run_scoped3A_22 : memref<!tpu.dma_semaphore, #tpu.memory_space<semaphore_mem>>)
      %dma_wait3A = arith.constant 0 : i32
      %dma_wait3A_28 = tpu.memref_slice %arg6[%arg0, %run_scoped3A_21, %mul3A_20, %dma_wait3A] : memref<2x1x5120x128xf32, #tpu.memory_space<hbm>> -> memref<1x1x320x128xf32, #tpu.memory_space<hbm>>
      %dma_wait3A_29 = tpu.memref_squeeze %dma_wait3A_28 : memref<1x1x320x128xf32, #tpu.memory_space<hbm>> -> memref<320x128xf32, #tpu.memory_space<hbm>>
      %dma_wait3A_30 = arith.constant 0 : i32
      %dma_wait3A_31 = tpu.memref_slice %arg11[%mul3A_18, %dma_wait3A_30] : memref<5120x128xf32, #tpu.memory_space<vmem_shared>> -> memref<320x128xf32, #tpu.memory_space<vmem_shared>>
      tpu.wait_dma2 semaphore(%run_scoped3A_22 : memref<!tpu.dma_semaphore, #tpu.memory_space<semaphore_mem>>) src(%dma_wait3A_31 : memref<320x128xf32, #tpu.memory_space<vmem_shared>>) dst(%dma_wait3A_29 : memref<320x128xf32, #tpu.memory_space<hbm>>)
      tpu.yield
    }) : () -> ()
    return
  }
}

#map = affine_map<(d0, d1) -> (0, 0)>
#map1 = affine_map<(d0, d1) -> (0)>
module attributes {stable_mosaic.version = 14 : i64} {
  func.func @deg_kernel(%arg0: i32, %arg1: i32, %arg2: memref<1280x128xi32, #tpu.memory_space<hbm>>, %arg3: memref<10240xf32, #tpu.memory_space<hbm>>, %arg4: memref<2x10240xf32, #tpu.memory_space<hbm>>, %arg5: memref<40x128xi32, #tpu.memory_space<vmem>>, %arg6: memref<10240xf32, #tpu.memory_space<vmem>>, %arg7: memref<640xf32, #tpu.memory_space<vmem>>, %arg8: memref<640xf32, #tpu.memory_space<vmem>>, %arg9: memref<16x10240xf32, #tpu.memory_space<vmem_shared>>) attributes {dimension_semantics = [#tpu.dimension_semantics<core_parallel>, #tpu.dimension_semantics<subcore_parallel>], iteration_bounds = array<i64: 2, 16>, scalar_prefetch = 0 : i64, scratch_operands = 5 : i64, tpu.core_type = #tpu.core_type<sc_vector_subcore>, window_params = [{transform_indices = #map}, {transform_indices = #map1}, {transform_indices = #map}]} {
    %mul3A = arith.constant 640 : i32
    %mul3A_0 = arith.muli %arg0, %mul3A : i32
    %mul3A_1 = arith.constant 40 : i32
    %mul3A_2 = arith.muli %arg1, %mul3A_1 : i32
    %add3A = arith.addi %mul3A_0, %mul3A_2 : i32
    "tpu.region"() ({
      %run_scoped3A_19 = tpu.sem_alloc : memref<!tpu.dma_semaphore, #tpu.memory_space<semaphore_mem>>
      %dma_start3A = arith.constant 0 : i32
      %dma_start3A_20 = tpu.memref_slice %arg2[%add3A, %dma_start3A] : memref<1280x128xi32, #tpu.memory_space<hbm>> -> memref<40x128xi32, #tpu.memory_space<hbm>>
      %dma_start3A_21 = arith.constant 0 : i32
      %dma_start3A_22 = tpu.memref_slice %arg2[%add3A, %dma_start3A_21] : memref<1280x128xi32, #tpu.memory_space<hbm>> -> memref<40x128xi32, #tpu.memory_space<hbm>>
      tpu.enqueue_dma source(%dma_start3A_22 : memref<40x128xi32, #tpu.memory_space<hbm>>) target(%arg5 : memref<40x128xi32, #tpu.memory_space<vmem>>) target_semaphore(%run_scoped3A_19 : memref<!tpu.dma_semaphore, #tpu.memory_space<semaphore_mem>>)
      %dma_wait3A = arith.constant 0 : i32
      %dma_wait3A_23 = tpu.memref_slice %arg2[%add3A, %dma_wait3A] : memref<1280x128xi32, #tpu.memory_space<hbm>> -> memref<40x128xi32, #tpu.memory_space<hbm>>
      %dma_wait3A_24 = arith.constant 0 : i32
      %dma_wait3A_25 = tpu.memref_slice %arg2[%add3A, %dma_wait3A_24] : memref<1280x128xi32, #tpu.memory_space<hbm>> -> memref<40x128xi32, #tpu.memory_space<hbm>>
      tpu.wait_dma2 semaphore(%run_scoped3A_19 : memref<!tpu.dma_semaphore, #tpu.memory_space<semaphore_mem>>) src(%dma_wait3A_25 : memref<40x128xi32, #tpu.memory_space<hbm>>) dst(%arg5 : memref<40x128xi32, #tpu.memory_space<vmem>>)
      tpu.yield
    }) : () -> ()
    "tpu.region"() ({
      %run_scoped3A_19 = tpu.sem_alloc : memref<!tpu.dma_semaphore, #tpu.memory_space<semaphore_mem>>
      tpu.enqueue_dma source(%arg3 : memref<10240xf32, #tpu.memory_space<hbm>>) target(%arg6 : memref<10240xf32, #tpu.memory_space<vmem>>) target_semaphore(%run_scoped3A_19 : memref<!tpu.dma_semaphore, #tpu.memory_space<semaphore_mem>>)
      tpu.wait_dma2 semaphore(%run_scoped3A_19 : memref<!tpu.dma_semaphore, #tpu.memory_space<semaphore_mem>>) src(%arg3 : memref<10240xf32, #tpu.memory_space<hbm>>) dst(%arg6 : memref<10240xf32, #tpu.memory_space<vmem>>)
      tpu.yield
    }) : () -> ()
    %broadcast_in_dim3A = arith.constant 1.000000e+00 : f32
    %broadcast_in_dim3A_3 = vector.broadcast %broadcast_in_dim3A : f32 to vector<16xf32>
    %scan3A = arith.constant 0 : i32
    %scan3A_4 = arith.constant 0 : i32
    %scan3A_5 = arith.constant 40 : i32
    %scan3A_6 = arith.addi %scan3A_4, %scan3A_5 : i32
    %scan3A_7 = arith.constant 1 : i32
    scf.for %scan3A_19 = %scan3A_4 to %scan3A_6 step %scan3A_7  : i32 {
      %get3A = arith.index_cast %scan3A_19 : i32 to index
      %get3A_20 = arith.constant 0 : index
      %get3A_21 = tpu.vector_load %arg5[%get3A, %get3A_20] {strides = array<i32>} : memref<40x128xi32, #tpu.memory_space<vmem>>, vector<16xi32>,
      tpu.vector_store_idx %arg6[%get3A_21], %broadcast_in_dim3A_3 {add = true} : memref<10240xf32, #tpu.memory_space<vmem>>[vector<16xi32>], vector<16xf32>,
      %get3A_22 = arith.index_cast %scan3A_19 : i32 to index
      %get3A_23 = arith.constant 16 : index
      %get3A_24 = tpu.vector_load %arg5[%get3A_22, %get3A_23] {strides = array<i32>} : memref<40x128xi32, #tpu.memory_space<vmem>>, vector<16xi32>,
      tpu.vector_store_idx %arg6[%get3A_24], %broadcast_in_dim3A_3 {add = true} : memref<10240xf32, #tpu.memory_space<vmem>>[vector<16xi32>], vector<16xf32>,
      %get3A_25 = arith.index_cast %scan3A_19 : i32 to index
      %get3A_26 = arith.constant 32 : index
      %get3A_27 = tpu.vector_load %arg5[%get3A_25, %get3A_26] {strides = array<i32>} : memref<40x128xi32, #tpu.memory_space<vmem>>, vector<16xi32>,
      tpu.vector_store_idx %arg6[%get3A_27], %broadcast_in_dim3A_3 {add = true} : memref<10240xf32, #tpu.memory_space<vmem>>[vector<16xi32>], vector<16xf32>,
      %get3A_28 = arith.index_cast %scan3A_19 : i32 to index
      %get3A_29 = arith.constant 48 : index
      %get3A_30 = tpu.vector_load %arg5[%get3A_28, %get3A_29] {strides = array<i32>} : memref<40x128xi32, #tpu.memory_space<vmem>>, vector<16xi32>,
      tpu.vector_store_idx %arg6[%get3A_30], %broadcast_in_dim3A_3 {add = true} : memref<10240xf32, #tpu.memory_space<vmem>>[vector<16xi32>], vector<16xf32>,
      %get3A_31 = arith.index_cast %scan3A_19 : i32 to index
      %get3A_32 = arith.constant 64 : index
      %get3A_33 = tpu.vector_load %arg5[%get3A_31, %get3A_32] {strides = array<i32>} : memref<40x128xi32, #tpu.memory_space<vmem>>, vector<16xi32>,
      tpu.vector_store_idx %arg6[%get3A_33], %broadcast_in_dim3A_3 {add = true} : memref<10240xf32, #tpu.memory_space<vmem>>[vector<16xi32>], vector<16xf32>,
      %get3A_34 = arith.index_cast %scan3A_19 : i32 to index
      %get3A_35 = arith.constant 80 : index
      %get3A_36 = tpu.vector_load %arg5[%get3A_34, %get3A_35] {strides = array<i32>} : memref<40x128xi32, #tpu.memory_space<vmem>>, vector<16xi32>,
      tpu.vector_store_idx %arg6[%get3A_36], %broadcast_in_dim3A_3 {add = true} : memref<10240xf32, #tpu.memory_space<vmem>>[vector<16xi32>], vector<16xf32>,
      %get3A_37 = arith.index_cast %scan3A_19 : i32 to index
      %get3A_38 = arith.constant 96 : index
      %get3A_39 = tpu.vector_load %arg5[%get3A_37, %get3A_38] {strides = array<i32>} : memref<40x128xi32, #tpu.memory_space<vmem>>, vector<16xi32>,
      tpu.vector_store_idx %arg6[%get3A_39], %broadcast_in_dim3A_3 {add = true} : memref<10240xf32, #tpu.memory_space<vmem>>[vector<16xi32>], vector<16xf32>,
      %get3A_40 = arith.index_cast %scan3A_19 : i32 to index
      %get3A_41 = arith.constant 112 : index
      %get3A_42 = tpu.vector_load %arg5[%get3A_40, %get3A_41] {strides = array<i32>} : memref<40x128xi32, #tpu.memory_space<vmem>>, vector<16xi32>,
      tpu.vector_store_idx %arg6[%get3A_42], %broadcast_in_dim3A_3 {add = true} : memref<10240xf32, #tpu.memory_space<vmem>>[vector<16xi32>], vector<16xf32>,
    }
    %scan3A_8 = arith.constant 40 : i32
    "tpu.region"() ({
      %run_scoped3A_19 = tpu.sem_alloc : memref<!tpu.dma_semaphore, #tpu.memory_space<semaphore_mem>>
      %dma_start3A = arith.constant 0 : i32
      %dma_start3A_20 = tpu.memref_slice %arg9[%arg1, %dma_start3A] : memref<16x10240xf32, #tpu.memory_space<vmem_shared>> -> memref<1x10240xf32, #tpu.memory_space<vmem_shared>>
      %dma_start3A_21 = tpu.memref_squeeze %dma_start3A_20 : memref<1x10240xf32, #tpu.memory_space<vmem_shared>> -> memref<10240xf32, #tpu.memory_space<vmem_shared>>
      %dma_start3A_22 = arith.constant 0 : i32
      %dma_start3A_23 = tpu.memref_slice %arg9[%arg1, %dma_start3A_22] : memref<16x10240xf32, #tpu.memory_space<vmem_shared>> -> memref<1x10240xf32, #tpu.memory_space<vmem_shared>>
      %dma_start3A_24 = tpu.memref_squeeze %dma_start3A_23 : memref<1x10240xf32, #tpu.memory_space<vmem_shared>> -> memref<10240xf32, #tpu.memory_space<vmem_shared>>
      tpu.enqueue_dma source(%arg6 : memref<10240xf32, #tpu.memory_space<vmem>>) target(%dma_start3A_24 : memref<10240xf32, #tpu.memory_space<vmem_shared>>) target_semaphore(%run_scoped3A_19 : memref<!tpu.dma_semaphore, #tpu.memory_space<semaphore_mem>>)
      %dma_wait3A = arith.constant 0 : i32
      %dma_wait3A_25 = tpu.memref_slice %arg9[%arg1, %dma_wait3A] : memref<16x10240xf32, #tpu.memory_space<vmem_shared>> -> memref<1x10240xf32, #tpu.memory_space<vmem_shared>>
      %dma_wait3A_26 = tpu.memref_squeeze %dma_wait3A_25 : memref<1x10240xf32, #tpu.memory_space<vmem_shared>> -> memref<10240xf32, #tpu.memory_space<vmem_shared>>
      %dma_wait3A_27 = arith.constant 0 : i32
      %dma_wait3A_28 = tpu.memref_slice %arg9[%arg1, %dma_wait3A_27] : memref<16x10240xf32, #tpu.memory_space<vmem_shared>> -> memref<1x10240xf32, #tpu.memory_space<vmem_shared>>
      %dma_wait3A_29 = tpu.memref_squeeze %dma_wait3A_28 : memref<1x10240xf32, #tpu.memory_space<vmem_shared>> -> memref<10240xf32, #tpu.memory_space<vmem_shared>>
      tpu.wait_dma2 semaphore(%run_scoped3A_19 : memref<!tpu.dma_semaphore, #tpu.memory_space<semaphore_mem>>) src(%arg6 : memref<10240xf32, #tpu.memory_space<vmem>>) dst(%dma_wait3A_29 : memref<10240xf32, #tpu.memory_space<vmem_shared>>)
      tpu.yield
    }) : () -> ()
    %barrier3A = arith.constant 0 : index
    tpu.barrier barrier_id(%barrier3A)
    %mul3A_9 = arith.constant 640 : i32
    %mul3A_10 = arith.muli %arg1, %mul3A_9 : i32
    %run_scoped3A = arith.constant 0 : i32
    "tpu.region"() ({
      %run_scoped3A_19 = tpu.sem_alloc : memref<!tpu.dma_semaphore, #tpu.memory_space<semaphore_mem>>
      %dma_start3A = tpu.memref_slice %arg9[%run_scoped3A, %mul3A_10] : memref<16x10240xf32, #tpu.memory_space<vmem_shared>> -> memref<1x640xf32, #tpu.memory_space<vmem_shared>>
      %dma_start3A_20 = tpu.memref_squeeze %dma_start3A : memref<1x640xf32, #tpu.memory_space<vmem_shared>> -> memref<640xf32, #tpu.memory_space<vmem_shared>>
      %dma_start3A_21 = tpu.memref_slice %arg9[%run_scoped3A, %mul3A_10] : memref<16x10240xf32, #tpu.memory_space<vmem_shared>> -> memref<1x640xf32, #tpu.memory_space<vmem_shared>>
      %dma_start3A_22 = tpu.memref_squeeze %dma_start3A_21 : memref<1x640xf32, #tpu.memory_space<vmem_shared>> -> memref<640xf32, #tpu.memory_space<vmem_shared>>
      tpu.enqueue_dma source(%dma_start3A_22 : memref<640xf32, #tpu.memory_space<vmem_shared>>) target(%arg8 : memref<640xf32, #tpu.memory_space<vmem>>) target_semaphore(%run_scoped3A_19 : memref<!tpu.dma_semaphore, #tpu.memory_space<semaphore_mem>>)
      %dma_wait3A = tpu.memref_slice %arg9[%run_scoped3A, %mul3A_10] : memref<16x10240xf32, #tpu.memory_space<vmem_shared>> -> memref<1x640xf32, #tpu.memory_space<vmem_shared>>
      %dma_wait3A_23 = tpu.memref_squeeze %dma_wait3A : memref<1x640xf32, #tpu.memory_space<vmem_shared>> -> memref<640xf32, #tpu.memory_space<vmem_shared>>
      %dma_wait3A_24 = tpu.memref_slice %arg9[%run_scoped3A, %mul3A_10] : memref<16x10240xf32, #tpu.memory_space<vmem_shared>> -> memref<1x640xf32, #tpu.memory_space<vmem_shared>>
      %dma_wait3A_25 = tpu.memref_squeeze %dma_wait3A_24 : memref<1x640xf32, #tpu.memory_space<vmem_shared>> -> memref<640xf32, #tpu.memory_space<vmem_shared>>
      tpu.wait_dma2 semaphore(%run_scoped3A_19 : memref<!tpu.dma_semaphore, #tpu.memory_space<semaphore_mem>>) src(%dma_wait3A_25 : memref<640xf32, #tpu.memory_space<vmem_shared>>) dst(%arg8 : memref<640xf32, #tpu.memory_space<vmem>>)
      tpu.yield
    }) : () -> ()
    %scan3A_11 = arith.constant 0 : i32
    %scan3A_12 = arith.constant 1 : i32
    %scan3A_13 = arith.constant 15 : i32
    %scan3A_14 = arith.addi %scan3A_12, %scan3A_13 : i32
    %scan3A_15 = arith.constant 1 : i32
    scf.for %scan3A_19 = %scan3A_12 to %scan3A_14 step %scan3A_15  : i32 {
      %mul3A_20 = arith.constant 640 : i32
      %mul3A_21 = arith.muli %arg1, %mul3A_20 : i32
      "tpu.region"() ({
        %run_scoped3A_28 = tpu.sem_alloc : memref<!tpu.dma_semaphore, #tpu.memory_space<semaphore_mem>>
        %dma_start3A = tpu.memref_slice %arg9[%scan3A_19, %mul3A_21] : memref<16x10240xf32, #tpu.memory_space<vmem_shared>> -> memref<1x640xf32, #tpu.memory_space<vmem_shared>>
        %dma_start3A_29 = tpu.memref_squeeze %dma_start3A : memref<1x640xf32, #tpu.memory_space<vmem_shared>> -> memref<640xf32, #tpu.memory_space<vmem_shared>>
        %dma_start3A_30 = tpu.memref_slice %arg9[%scan3A_19, %mul3A_21] : memref<16x10240xf32, #tpu.memory_space<vmem_shared>> -> memref<1x640xf32, #tpu.memory_space<vmem_shared>>
        %dma_start3A_31 = tpu.memref_squeeze %dma_start3A_30 : memref<1x640xf32, #tpu.memory_space<vmem_shared>> -> memref<640xf32, #tpu.memory_space<vmem_shared>>
        tpu.enqueue_dma source(%dma_start3A_31 : memref<640xf32, #tpu.memory_space<vmem_shared>>) target(%arg7 : memref<640xf32, #tpu.memory_space<vmem>>) target_semaphore(%run_scoped3A_28 : memref<!tpu.dma_semaphore, #tpu.memory_space<semaphore_mem>>)
        %dma_wait3A = tpu.memref_slice %arg9[%scan3A_19, %mul3A_21] : memref<16x10240xf32, #tpu.memory_space<vmem_shared>> -> memref<1x640xf32, #tpu.memory_space<vmem_shared>>
        %dma_wait3A_32 = tpu.memref_squeeze %dma_wait3A : memref<1x640xf32, #tpu.memory_space<vmem_shared>> -> memref<640xf32, #tpu.memory_space<vmem_shared>>
        %dma_wait3A_33 = tpu.memref_slice %arg9[%scan3A_19, %mul3A_21] : memref<16x10240xf32, #tpu.memory_space<vmem_shared>> -> memref<1x640xf32, #tpu.memory_space<vmem_shared>>
        %dma_wait3A_34 = tpu.memref_squeeze %dma_wait3A_33 : memref<1x640xf32, #tpu.memory_space<vmem_shared>> -> memref<640xf32, #tpu.memory_space<vmem_shared>>
        tpu.wait_dma2 semaphore(%run_scoped3A_28 : memref<!tpu.dma_semaphore, #tpu.memory_space<semaphore_mem>>) src(%dma_wait3A_34 : memref<640xf32, #tpu.memory_space<vmem_shared>>) dst(%arg7 : memref<640xf32, #tpu.memory_space<vmem>>)
        tpu.yield
      }) : () -> ()
      %scan3A_22 = arith.constant 0 : i32
      %scan3A_23 = arith.constant 0 : i32
      %scan3A_24 = arith.constant 40 : i32
      %scan3A_25 = arith.addi %scan3A_23, %scan3A_24 : i32
      %scan3A_26 = arith.constant 1 : i32
      scf.for %scan3A_28 = %scan3A_23 to %scan3A_25 step %scan3A_26  : i32 {
        %mul3A_29 = arith.constant 16 : i32
        %mul3A_30 = arith.muli %scan3A_28, %mul3A_29 : i32
        %get3A = arith.index_cast %mul3A_30 : i32 to index
        %get3A_31 = tpu.vector_load %arg8[%get3A] {strides = array<i32>} : memref<640xf32, #tpu.memory_space<vmem>>, vector<16xf32>,
        %get3A_32 = arith.index_cast %mul3A_30 : i32 to index
        %get3A_33 = tpu.vector_load %arg7[%get3A_32] {strides = array<i32>} : memref<640xf32, #tpu.memory_space<vmem>>, vector<16xf32>,
        %add3A_34 = arith.addf %get3A_31, %get3A_33 : vector<16xf32>
        %swap3A = arith.index_cast %mul3A_30 : i32 to index
        %swap3A_35 = tpu.vector_load %arg8[%swap3A] {strides = array<i32>} : memref<640xf32, #tpu.memory_space<vmem>>, vector<16xf32>,
        tpu.vector_store %arg8[%swap3A], %add3A_34 {strides = array<i32>} : memref<640xf32, #tpu.memory_space<vmem>>, vector<16xf32>,
      }
      %scan3A_27 = arith.constant 40 : i32
    }
    %scan3A_16 = arith.constant 15 : i32
    %mul3A_17 = arith.constant 640 : i32
    %mul3A_18 = arith.muli %arg1, %mul3A_17 : i32
    "tpu.region"() ({
      %run_scoped3A_19 = tpu.sem_alloc : memref<!tpu.dma_semaphore, #tpu.memory_space<semaphore_mem>>
      %dma_start3A = tpu.memref_slice %arg4[%arg0, %mul3A_18] : memref<2x10240xf32, #tpu.memory_space<hbm>> -> memref<1x640xf32, #tpu.memory_space<hbm>>
      %dma_start3A_20 = tpu.memref_squeeze %dma_start3A : memref<1x640xf32, #tpu.memory_space<hbm>> -> memref<640xf32, #tpu.memory_space<hbm>>
      %dma_start3A_21 = tpu.memref_slice %arg4[%arg0, %mul3A_18] : memref<2x10240xf32, #tpu.memory_space<hbm>> -> memref<1x640xf32, #tpu.memory_space<hbm>>
      %dma_start3A_22 = tpu.memref_squeeze %dma_start3A_21 : memref<1x640xf32, #tpu.memory_space<hbm>> -> memref<640xf32, #tpu.memory_space<hbm>>
      tpu.enqueue_dma source(%arg8 : memref<640xf32, #tpu.memory_space<vmem>>) target(%dma_start3A_22 : memref<640xf32, #tpu.memory_space<hbm>>) target_semaphore(%run_scoped3A_19 : memref<!tpu.dma_semaphore, #tpu.memory_space<semaphore_mem>>)
      %dma_wait3A = tpu.memref_slice %arg4[%arg0, %mul3A_18] : memref<2x10240xf32, #tpu.memory_space<hbm>> -> memref<1x640xf32, #tpu.memory_space<hbm>>
      %dma_wait3A_23 = tpu.memref_squeeze %dma_wait3A : memref<1x640xf32, #tpu.memory_space<hbm>> -> memref<640xf32, #tpu.memory_space<hbm>>
      %dma_wait3A_24 = tpu.memref_slice %arg4[%arg0, %mul3A_18] : memref<2x10240xf32, #tpu.memory_space<hbm>> -> memref<1x640xf32, #tpu.memory_space<hbm>>
      %dma_wait3A_25 = tpu.memref_squeeze %dma_wait3A_24 : memref<1x640xf32, #tpu.memory_space<hbm>> -> memref<640xf32, #tpu.memory_space<hbm>>
      tpu.wait_dma2 semaphore(%run_scoped3A_19 : memref<!tpu.dma_semaphore, #tpu.memory_space<semaphore_mem>>) src(%arg8 : memref<640xf32, #tpu.memory_space<vmem>>) dst(%dma_wait3A_25 : memref<640xf32, #tpu.memory_space<hbm>>)
      tpu.yield
    }) : () -> ()
    return
  }
}

#map = affine_map<(d0, d1) -> (0, 0)>
#map1 = affine_map<(d0, d1) -> (0, 0, 0)>
#map2 = affine_map<(d0, d1) -> (0, 0, 0, 0)>
module attributes {stable_mosaic.version = 14 : i64} {
  func.func @agg_kernel(%arg0: i32, %arg1: i32, %arg2: memref<20000x128xf32, #tpu.memory_space<hbm>>, %arg3: memref<2x1280x128xi32, #tpu.memory_space<hbm>>, %arg4: memref<2x2x1280x128xi32, #tpu.memory_space<hbm>>, %arg5: memref<5120x128xf32, #tpu.memory_space<hbm>>, %arg6: memref<2x2x5120x128xf32, #tpu.memory_space<hbm>>, %arg7: memref<80x128xi32, #tpu.memory_space<vmem>>, %arg8: memref<80x128xi32, #tpu.memory_space<vmem>>, %arg9: memref<128x128xf32, #tpu.memory_space<vmem>>, %arg10: memref<128x128xf32, #tpu.memory_space<vmem>>, %arg11: memref<5120x128xf32, #tpu.memory_space<vmem_shared>>, %arg12: memref<!tpu.dma_semaphore, #tpu.memory_space<semaphore_mem>>, %arg13: memref<!tpu.dma_semaphore, #tpu.memory_space<semaphore_mem>>) attributes {dimension_semantics = [#tpu.dimension_semantics<core_parallel>, #tpu.dimension_semantics<subcore_parallel>], iteration_bounds = array<i64: 2, 16>, scalar_prefetch = 0 : i64, scratch_operands = 7 : i64, tpu.core_type = #tpu.core_type<sc_vector_subcore>, window_params = [{transform_indices = #map}, {transform_indices = #map1}, {transform_indices = #map2}, {transform_indices = #map}, {transform_indices = #map2}]} {
    %mul3A = arith.constant 80 : i32
    %mul3A_0 = arith.muli %arg1, %mul3A : i32
    "tpu.region"() ({
      %run_scoped3A_47 = tpu.sem_alloc : memref<!tpu.dma_semaphore, #tpu.memory_space<semaphore_mem>>
      %dma_start3A_48 = arith.constant 0 : i32
      %dma_start3A_49 = tpu.memref_slice %arg3[%arg0, %mul3A_0, %dma_start3A_48] : memref<2x1280x128xi32, #tpu.memory_space<hbm>> -> memref<1x80x128xi32, #tpu.memory_space<hbm>>
      %dma_start3A_50 = tpu.memref_squeeze %dma_start3A_49 : memref<1x80x128xi32, #tpu.memory_space<hbm>> -> memref<80x128xi32, #tpu.memory_space<hbm>>
      %dma_start3A_51 = arith.constant 0 : i32
      %dma_start3A_52 = tpu.memref_slice %arg3[%arg0, %mul3A_0, %dma_start3A_51] : memref<2x1280x128xi32, #tpu.memory_space<hbm>> -> memref<1x80x128xi32, #tpu.memory_space<hbm>>
      %dma_start3A_53 = tpu.memref_squeeze %dma_start3A_52 : memref<1x80x128xi32, #tpu.memory_space<hbm>> -> memref<80x128xi32, #tpu.memory_space<hbm>>
      tpu.enqueue_dma source(%dma_start3A_53 : memref<80x128xi32, #tpu.memory_space<hbm>>) target(%arg7 : memref<80x128xi32, #tpu.memory_space<vmem>>) target_semaphore(%run_scoped3A_47 : memref<!tpu.dma_semaphore, #tpu.memory_space<semaphore_mem>>)
      %dma_wait3A = arith.constant 0 : i32
      %dma_wait3A_54 = tpu.memref_slice %arg3[%arg0, %mul3A_0, %dma_wait3A] : memref<2x1280x128xi32, #tpu.memory_space<hbm>> -> memref<1x80x128xi32, #tpu.memory_space<hbm>>
      %dma_wait3A_55 = tpu.memref_squeeze %dma_wait3A_54 : memref<1x80x128xi32, #tpu.memory_space<hbm>> -> memref<80x128xi32, #tpu.memory_space<hbm>>
      %dma_wait3A_56 = arith.constant 0 : i32
      %dma_wait3A_57 = tpu.memref_slice %arg3[%arg0, %mul3A_0, %dma_wait3A_56] : memref<2x1280x128xi32, #tpu.memory_space<hbm>> -> memref<1x80x128xi32, #tpu.memory_space<hbm>>
      %dma_wait3A_58 = tpu.memref_squeeze %dma_wait3A_57 : memref<1x80x128xi32, #tpu.memory_space<hbm>> -> memref<80x128xi32, #tpu.memory_space<hbm>>
      tpu.wait_dma2 semaphore(%run_scoped3A_47 : memref<!tpu.dma_semaphore, #tpu.memory_space<semaphore_mem>>) src(%dma_wait3A_58 : memref<80x128xi32, #tpu.memory_space<hbm>>) dst(%arg7 : memref<80x128xi32, #tpu.memory_space<vmem>>)
      tpu.yield
    }) : () -> ()
    %run_scoped3A = arith.constant 0 : i32
    "tpu.region"() ({
      %run_scoped3A_47 = tpu.sem_alloc : memref<!tpu.dma_semaphore, #tpu.memory_space<semaphore_mem>>
      %dma_start3A_48 = arith.constant 0 : i32
      %dma_start3A_49 = tpu.memref_slice %arg4[%run_scoped3A, %arg0, %mul3A_0, %dma_start3A_48] : memref<2x2x1280x128xi32, #tpu.memory_space<hbm>> -> memref<1x1x80x128xi32, #tpu.memory_space<hbm>>
      %dma_start3A_50 = tpu.memref_squeeze %dma_start3A_49 : memref<1x1x80x128xi32, #tpu.memory_space<hbm>> -> memref<80x128xi32, #tpu.memory_space<hbm>>
      %dma_start3A_51 = arith.constant 0 : i32
      %dma_start3A_52 = tpu.memref_slice %arg4[%run_scoped3A, %arg0, %mul3A_0, %dma_start3A_51] : memref<2x2x1280x128xi32, #tpu.memory_space<hbm>> -> memref<1x1x80x128xi32, #tpu.memory_space<hbm>>
      %dma_start3A_53 = tpu.memref_squeeze %dma_start3A_52 : memref<1x1x80x128xi32, #tpu.memory_space<hbm>> -> memref<80x128xi32, #tpu.memory_space<hbm>>
      tpu.enqueue_dma source(%dma_start3A_53 : memref<80x128xi32, #tpu.memory_space<hbm>>) target(%arg8 : memref<80x128xi32, #tpu.memory_space<vmem>>) target_semaphore(%run_scoped3A_47 : memref<!tpu.dma_semaphore, #tpu.memory_space<semaphore_mem>>)
      %dma_wait3A = arith.constant 0 : i32
      %dma_wait3A_54 = tpu.memref_slice %arg4[%run_scoped3A, %arg0, %mul3A_0, %dma_wait3A] : memref<2x2x1280x128xi32, #tpu.memory_space<hbm>> -> memref<1x1x80x128xi32, #tpu.memory_space<hbm>>
      %dma_wait3A_55 = tpu.memref_squeeze %dma_wait3A_54 : memref<1x1x80x128xi32, #tpu.memory_space<hbm>> -> memref<80x128xi32, #tpu.memory_space<hbm>>
      %dma_wait3A_56 = arith.constant 0 : i32
      %dma_wait3A_57 = tpu.memref_slice %arg4[%run_scoped3A, %arg0, %mul3A_0, %dma_wait3A_56] : memref<2x2x1280x128xi32, #tpu.memory_space<hbm>> -> memref<1x1x80x128xi32, #tpu.memory_space<hbm>>
      %dma_wait3A_58 = tpu.memref_squeeze %dma_wait3A_57 : memref<1x1x80x128xi32, #tpu.memory_space<hbm>> -> memref<80x128xi32, #tpu.memory_space<hbm>>
      tpu.wait_dma2 semaphore(%run_scoped3A_47 : memref<!tpu.dma_semaphore, #tpu.memory_space<semaphore_mem>>) src(%dma_wait3A_58 : memref<80x128xi32, #tpu.memory_space<hbm>>) dst(%arg8 : memref<80x128xi32, #tpu.memory_space<vmem>>)
      tpu.yield
    }) : () -> ()
    %mul3A_1 = arith.constant 320 : i32
    %mul3A_2 = arith.muli %arg1, %mul3A_1 : i32
    %mul3A_3 = arith.constant 320 : i32
    %mul3A_4 = arith.muli %arg1, %mul3A_3 : i32
    "tpu.region"() ({
      %run_scoped3A_47 = tpu.sem_alloc : memref<!tpu.dma_semaphore, #tpu.memory_space<semaphore_mem>>
      %dma_start3A_48 = arith.constant 0 : i32
      %dma_start3A_49 = tpu.memref_slice %arg11[%mul3A_4, %dma_start3A_48] : memref<5120x128xf32, #tpu.memory_space<vmem_shared>> -> memref<320x128xf32, #tpu.memory_space<vmem_shared>>
      %dma_start3A_50 = arith.constant 0 : i32
      %dma_start3A_51 = tpu.memref_slice %arg5[%mul3A_2, %dma_start3A_50] : memref<5120x128xf32, #tpu.memory_space<hbm>> -> memref<320x128xf32, #tpu.memory_space<hbm>>
      tpu.enqueue_dma source(%dma_start3A_51 : memref<320x128xf32, #tpu.memory_space<hbm>>) target(%dma_start3A_49 : memref<320x128xf32, #tpu.memory_space<vmem_shared>>) target_semaphore(%run_scoped3A_47 : memref<!tpu.dma_semaphore, #tpu.memory_space<semaphore_mem>>)
      %dma_wait3A = arith.constant 0 : i32
      %dma_wait3A_52 = tpu.memref_slice %arg11[%mul3A_4, %dma_wait3A] : memref<5120x128xf32, #tpu.memory_space<vmem_shared>> -> memref<320x128xf32, #tpu.memory_space<vmem_shared>>
      %dma_wait3A_53 = arith.constant 0 : i32
      %dma_wait3A_54 = tpu.memref_slice %arg5[%mul3A_2, %dma_wait3A_53] : memref<5120x128xf32, #tpu.memory_space<hbm>> -> memref<320x128xf32, #tpu.memory_space<hbm>>
      tpu.wait_dma2 semaphore(%run_scoped3A_47 : memref<!tpu.dma_semaphore, #tpu.memory_space<semaphore_mem>>) src(%dma_wait3A_54 : memref<320x128xf32, #tpu.memory_space<hbm>>) dst(%dma_wait3A_52 : memref<320x128xf32, #tpu.memory_space<vmem_shared>>)
      tpu.yield
    }) : () -> ()
    %barrier3A = arith.constant 0 : index
    tpu.barrier barrier_id(%barrier3A)
    %dma_start3A = arith.constant 0 : i32
    %dma_start3A_5 = arith.constant 0 : i32
    %dma_start3A_6 = tpu.memref_slice %arg7[%dma_start3A, %dma_start3A_5] : memref<80x128xi32, #tpu.memory_space<vmem>> -> memref<1x128xi32, #tpu.memory_space<vmem>>
    %dma_start3A_7 = tpu.memref_squeeze %dma_start3A_6 : memref<1x128xi32, #tpu.memory_space<vmem>> -> memref<128xi32, #tpu.memory_space<vmem>>
    %dma_start3A_8 = arith.constant 0 : i32
    %dma_start3A_9 = arith.constant 0 : i32
    %dma_start3A_10 = tpu.memref_slice %arg2[%dma_start3A_8, %dma_start3A_9] : memref<20000x128xf32, #tpu.memory_space<hbm>> -> memref<20000x128xf32, #tpu.memory_space<hbm>>
    tpu.enqueue_indirect_dma source(%dma_start3A_10 : memref<20000x128xf32, #tpu.memory_space<hbm>>) target(%arg9 : memref<128x128xf32, #tpu.memory_space<vmem>>) offsets(%dma_start3A_7 : memref<128xi32, #tpu.memory_space<vmem>>) semaphore(%arg12 : memref<!tpu.dma_semaphore, #tpu.memory_space<semaphore_mem>>)
    %scan3A = arith.constant 0 : i32
    %scan3A_11 = arith.constant 0 : i32
    %scan3A_12 = arith.constant 40 : i32
    %scan3A_13 = arith.addi %scan3A_11, %scan3A_12 : i32
    %scan3A_14 = arith.constant 1 : i32
    scf.for %scan3A_47 = %scan3A_11 to %scan3A_13 step %scan3A_14  : i32 {
      %mul3A_48 = arith.constant 2 : i32
      %mul3A_49 = arith.muli %mul3A_48, %scan3A_47 : i32
      %mul3A_50 = arith.constant 2 : i32
      %mul3A_51 = arith.muli %mul3A_50, %scan3A_47 : i32
      %add3A = arith.constant 1 : i32
      %add3A_52 = arith.addi %mul3A_51, %add3A : i32
      %dma_start3A_53 = arith.constant 0 : i32
      %dma_start3A_54 = tpu.memref_slice %arg7[%add3A_52, %dma_start3A_53] : memref<80x128xi32, #tpu.memory_space<vmem>> -> memref<1x128xi32, #tpu.memory_space<vmem>>
      %dma_start3A_55 = tpu.memref_squeeze %dma_start3A_54 : memref<1x128xi32, #tpu.memory_space<vmem>> -> memref<128xi32, #tpu.memory_space<vmem>>
      %dma_start3A_56 = arith.constant 0 : i32
      %dma_start3A_57 = arith.constant 0 : i32
      %dma_start3A_58 = tpu.memref_slice %arg2[%dma_start3A_56, %dma_start3A_57] : memref<20000x128xf32, #tpu.memory_space<hbm>> -> memref<20000x128xf32, #tpu.memory_space<hbm>>
      tpu.enqueue_indirect_dma source(%dma_start3A_58 : memref<20000x128xf32, #tpu.memory_space<hbm>>) target(%arg10 : memref<128x128xf32, #tpu.memory_space<vmem>>) offsets(%dma_start3A_55 : memref<128xi32, #tpu.memory_space<vmem>>) semaphore(%arg13 : memref<!tpu.dma_semaphore, #tpu.memory_space<semaphore_mem>>)
      %dma_wait3A = arith.constant 0 : i32
      %dma_wait3A_59 = tpu.memref_slice %arg7[%mul3A_49, %dma_wait3A] : memref<80x128xi32, #tpu.memory_space<vmem>> -> memref<1x128xi32, #tpu.memory_space<vmem>>
      %dma_wait3A_60 = tpu.memref_squeeze %dma_wait3A_59 : memref<1x128xi32, #tpu.memory_space<vmem>> -> memref<128xi32, #tpu.memory_space<vmem>>
      %dma_wait3A_61 = arith.constant 0 : i32
      %dma_wait3A_62 = arith.constant 0 : i32
      %dma_wait3A_63 = tpu.memref_slice %arg2[%dma_wait3A_61, %dma_wait3A_62] : memref<20000x128xf32, #tpu.memory_space<hbm>> -> memref<20000x128xf32, #tpu.memory_space<hbm>>
      tpu.wait_indirect_dma semaphore(%arg12 : memref<!tpu.dma_semaphore, #tpu.memory_space<semaphore_mem>>) src(%dma_wait3A_63 : memref<20000x128xf32, #tpu.memory_space<hbm>>) dst(%arg9 : memref<128x128xf32, #tpu.memory_space<vmem>>)
      "tpu.region"() ({
        %run_scoped3A_72 = tpu.sem_alloc : memref<!tpu.dma_semaphore, #tpu.memory_space<semaphore_mem>>
        %dma_start3A_73 = arith.constant 0 : i32
        %dma_start3A_74 = tpu.memref_slice %arg8[%mul3A_49, %dma_start3A_73] : memref<80x128xi32, #tpu.memory_space<vmem>> -> memref<1x128xi32, #tpu.memory_space<vmem>>
        %dma_start3A_75 = tpu.memref_squeeze %dma_start3A_74 : memref<1x128xi32, #tpu.memory_space<vmem>> -> memref<128xi32, #tpu.memory_space<vmem>>
        %dma_start3A_76 = arith.constant 0 : i32
        %dma_start3A_77 = arith.constant 0 : i32
        %dma_start3A_78 = tpu.memref_slice %arg11[%dma_start3A_76, %dma_start3A_77] : memref<5120x128xf32, #tpu.memory_space<vmem_shared>> -> memref<5120x128xf32, #tpu.memory_space<vmem_shared>>
        tpu.enqueue_indirect_dma source(%arg9 : memref<128x128xf32, #tpu.memory_space<vmem>>) target(%dma_start3A_78 : memref<5120x128xf32, #tpu.memory_space<vmem_shared>>) offsets(%dma_start3A_75 : memref<128xi32, #tpu.memory_space<vmem>>) semaphore(%run_scoped3A_72 : memref<!tpu.dma_semaphore, #tpu.memory_space<semaphore_mem>>) {add = true}
        %dma_wait3A_79 = arith.constant 0 : i32
        %dma_wait3A_80 = tpu.memref_slice %arg8[%mul3A_49, %dma_wait3A_79] : memref<80x128xi32, #tpu.memory_space<vmem>> -> memref<1x128xi32, #tpu.memory_space<vmem>>
        %dma_wait3A_81 = tpu.memref_squeeze %dma_wait3A_80 : memref<1x128xi32, #tpu.memory_space<vmem>> -> memref<128xi32, #tpu.memory_space<vmem>>
        %dma_wait3A_82 = arith.constant 0 : i32
        %dma_wait3A_83 = arith.constant 0 : i32
        %dma_wait3A_84 = tpu.memref_slice %arg11[%dma_wait3A_82, %dma_wait3A_83] : memref<5120x128xf32, #tpu.memory_space<vmem_shared>> -> memref<5120x128xf32, #tpu.memory_space<vmem_shared>>
        tpu.wait_indirect_dma semaphore(%run_scoped3A_72 : memref<!tpu.dma_semaphore, #tpu.memory_space<semaphore_mem>>) src(%arg9 : memref<128x128xf32, #tpu.memory_space<vmem>>) dst(%dma_wait3A_84 : memref<5120x128xf32, #tpu.memory_space<vmem_shared>>)
        tpu.yield
      }) : () -> ()
      %lt3A = arith.constant 39 : i32
      %lt3A_64 = arith.cmpi slt, %scan3A_47, %lt3A : i32
      %convert_element_type3A = arith.extui %lt3A_64 : i1 to i32
      %cond3A = arith.constant 0 : i32
      %cond3A_65 = arith.cmpi ne, %convert_element_type3A, %cond3A : i32
      scf.if %cond3A_65 {
        %add3A_72 = arith.constant 2 : i32
        %add3A_73 = arith.addi %mul3A_49, %add3A_72 : i32
        %dma_start3A_74 = arith.constant 0 : i32
        %dma_start3A_75 = tpu.memref_slice %arg7[%add3A_73, %dma_start3A_74] : memref<80x128xi32, #tpu.memory_space<vmem>> -> memref<1x128xi32, #tpu.memory_space<vmem>>
        %dma_start3A_76 = tpu.memref_squeeze %dma_start3A_75 : memref<1x128xi32, #tpu.memory_space<vmem>> -> memref<128xi32, #tpu.memory_space<vmem>>
        %dma_start3A_77 = arith.constant 0 : i32
        %dma_start3A_78 = arith.constant 0 : i32
        %dma_start3A_79 = tpu.memref_slice %arg2[%dma_start3A_77, %dma_start3A_78] : memref<20000x128xf32, #tpu.memory_space<hbm>> -> memref<20000x128xf32, #tpu.memory_space<hbm>>
        tpu.enqueue_indirect_dma source(%dma_start3A_79 : memref<20000x128xf32, #tpu.memory_space<hbm>>) target(%arg9 : memref<128x128xf32, #tpu.memory_space<vmem>>) offsets(%dma_start3A_76 : memref<128xi32, #tpu.memory_space<vmem>>) semaphore(%arg12 : memref<!tpu.dma_semaphore, #tpu.memory_space<semaphore_mem>>)
      } else {
      }
      %dma_wait3A_66 = arith.constant 0 : i32
      %dma_wait3A_67 = tpu.memref_slice %arg7[%add3A_52, %dma_wait3A_66] : memref<80x128xi32, #tpu.memory_space<vmem>> -> memref<1x128xi32, #tpu.memory_space<vmem>>
      %dma_wait3A_68 = tpu.memref_squeeze %dma_wait3A_67 : memref<1x128xi32, #tpu.memory_space<vmem>> -> memref<128xi32, #tpu.memory_space<vmem>>
      %dma_wait3A_69 = arith.constant 0 : i32
      %dma_wait3A_70 = arith.constant 0 : i32
      %dma_wait3A_71 = tpu.memref_slice %arg2[%dma_wait3A_69, %dma_wait3A_70] : memref<20000x128xf32, #tpu.memory_space<hbm>> -> memref<20000x128xf32, #tpu.memory_space<hbm>>
      tpu.wait_indirect_dma semaphore(%arg13 : memref<!tpu.dma_semaphore, #tpu.memory_space<semaphore_mem>>) src(%dma_wait3A_71 : memref<20000x128xf32, #tpu.memory_space<hbm>>) dst(%arg10 : memref<128x128xf32, #tpu.memory_space<vmem>>)
      "tpu.region"() ({
        %run_scoped3A_72 = tpu.sem_alloc : memref<!tpu.dma_semaphore, #tpu.memory_space<semaphore_mem>>
        %dma_start3A_73 = arith.constant 0 : i32
        %dma_start3A_74 = tpu.memref_slice %arg8[%add3A_52, %dma_start3A_73] : memref<80x128xi32, #tpu.memory_space<vmem>> -> memref<1x128xi32, #tpu.memory_space<vmem>>
        %dma_start3A_75 = tpu.memref_squeeze %dma_start3A_74 : memref<1x128xi32, #tpu.memory_space<vmem>> -> memref<128xi32, #tpu.memory_space<vmem>>
        %dma_start3A_76 = arith.constant 0 : i32
        %dma_start3A_77 = arith.constant 0 : i32
        %dma_start3A_78 = tpu.memref_slice %arg11[%dma_start3A_76, %dma_start3A_77] : memref<5120x128xf32, #tpu.memory_space<vmem_shared>> -> memref<5120x128xf32, #tpu.memory_space<vmem_shared>>
        tpu.enqueue_indirect_dma source(%arg10 : memref<128x128xf32, #tpu.memory_space<vmem>>) target(%dma_start3A_78 : memref<5120x128xf32, #tpu.memory_space<vmem_shared>>) offsets(%dma_start3A_75 : memref<128xi32, #tpu.memory_space<vmem>>) semaphore(%run_scoped3A_72 : memref<!tpu.dma_semaphore, #tpu.memory_space<semaphore_mem>>) {add = true}
        %dma_wait3A_79 = arith.constant 0 : i32
        %dma_wait3A_80 = tpu.memref_slice %arg8[%add3A_52, %dma_wait3A_79] : memref<80x128xi32, #tpu.memory_space<vmem>> -> memref<1x128xi32, #tpu.memory_space<vmem>>
        %dma_wait3A_81 = tpu.memref_squeeze %dma_wait3A_80 : memref<1x128xi32, #tpu.memory_space<vmem>> -> memref<128xi32, #tpu.memory_space<vmem>>
        %dma_wait3A_82 = arith.constant 0 : i32
        %dma_wait3A_83 = arith.constant 0 : i32
        %dma_wait3A_84 = tpu.memref_slice %arg11[%dma_wait3A_82, %dma_wait3A_83] : memref<5120x128xf32, #tpu.memory_space<vmem_shared>> -> memref<5120x128xf32, #tpu.memory_space<vmem_shared>>
        tpu.wait_indirect_dma semaphore(%run_scoped3A_72 : memref<!tpu.dma_semaphore, #tpu.memory_space<semaphore_mem>>) src(%arg10 : memref<128x128xf32, #tpu.memory_space<vmem>>) dst(%dma_wait3A_84 : memref<5120x128xf32, #tpu.memory_space<vmem_shared>>)
        tpu.yield
      }) : () -> ()
    }
    %scan3A_15 = arith.constant 40 : i32
    %barrier3A_16 = arith.constant 0 : index
    tpu.barrier barrier_id(%barrier3A_16)
    %mul3A_17 = arith.constant 320 : i32
    %mul3A_18 = arith.muli %arg1, %mul3A_17 : i32
    %mul3A_19 = arith.constant 320 : i32
    %mul3A_20 = arith.muli %arg1, %mul3A_19 : i32
    %run_scoped3A_21 = arith.constant 0 : i32
    "tpu.region"() ({
      %run_scoped3A_47 = tpu.sem_alloc : memref<!tpu.dma_semaphore, #tpu.memory_space<semaphore_mem>>
      %dma_start3A_48 = arith.constant 0 : i32
      %dma_start3A_49 = tpu.memref_slice %arg6[%arg0, %run_scoped3A_21, %mul3A_20, %dma_start3A_48] : memref<2x2x5120x128xf32, #tpu.memory_space<hbm>> -> memref<1x1x320x128xf32, #tpu.memory_space<hbm>>
      %dma_start3A_50 = tpu.memref_squeeze %dma_start3A_49 : memref<1x1x320x128xf32, #tpu.memory_space<hbm>> -> memref<320x128xf32, #tpu.memory_space<hbm>>
      %dma_start3A_51 = arith.constant 0 : i32
      %dma_start3A_52 = tpu.memref_slice %arg11[%mul3A_18, %dma_start3A_51] : memref<5120x128xf32, #tpu.memory_space<vmem_shared>> -> memref<320x128xf32, #tpu.memory_space<vmem_shared>>
      tpu.enqueue_dma source(%dma_start3A_52 : memref<320x128xf32, #tpu.memory_space<vmem_shared>>) target(%dma_start3A_50 : memref<320x128xf32, #tpu.memory_space<hbm>>) target_semaphore(%run_scoped3A_47 : memref<!tpu.dma_semaphore, #tpu.memory_space<semaphore_mem>>)
      %dma_wait3A = arith.constant 0 : i32
      %dma_wait3A_53 = tpu.memref_slice %arg6[%arg0, %run_scoped3A_21, %mul3A_20, %dma_wait3A] : memref<2x2x5120x128xf32, #tpu.memory_space<hbm>> -> memref<1x1x320x128xf32, #tpu.memory_space<hbm>>
      %dma_wait3A_54 = tpu.memref_squeeze %dma_wait3A_53 : memref<1x1x320x128xf32, #tpu.memory_space<hbm>> -> memref<320x128xf32, #tpu.memory_space<hbm>>
      %dma_wait3A_55 = arith.constant 0 : i32
      %dma_wait3A_56 = tpu.memref_slice %arg11[%mul3A_18, %dma_wait3A_55] : memref<5120x128xf32, #tpu.memory_space<vmem_shared>> -> memref<320x128xf32, #tpu.memory_space<vmem_shared>>
      tpu.wait_dma2 semaphore(%run_scoped3A_47 : memref<!tpu.dma_semaphore, #tpu.memory_space<semaphore_mem>>) src(%dma_wait3A_56 : memref<320x128xf32, #tpu.memory_space<vmem_shared>>) dst(%dma_wait3A_54 : memref<320x128xf32, #tpu.memory_space<hbm>>)
      tpu.yield
    }) : () -> ()
    %run_scoped3A_22 = arith.constant 1 : i32
    "tpu.region"() ({
      %run_scoped3A_47 = tpu.sem_alloc : memref<!tpu.dma_semaphore, #tpu.memory_space<semaphore_mem>>
      %dma_start3A_48 = arith.constant 0 : i32
      %dma_start3A_49 = tpu.memref_slice %arg4[%run_scoped3A_22, %arg0, %mul3A_0, %dma_start3A_48] : memref<2x2x1280x128xi32, #tpu.memory_space<hbm>> -> memref<1x1x80x128xi32, #tpu.memory_space<hbm>>
      %dma_start3A_50 = tpu.memref_squeeze %dma_start3A_49 : memref<1x1x80x128xi32, #tpu.memory_space<hbm>> -> memref<80x128xi32, #tpu.memory_space<hbm>>
      %dma_start3A_51 = arith.constant 0 : i32
      %dma_start3A_52 = tpu.memref_slice %arg4[%run_scoped3A_22, %arg0, %mul3A_0, %dma_start3A_51] : memref<2x2x1280x128xi32, #tpu.memory_space<hbm>> -> memref<1x1x80x128xi32, #tpu.memory_space<hbm>>
      %dma_start3A_53 = tpu.memref_squeeze %dma_start3A_52 : memref<1x1x80x128xi32, #tpu.memory_space<hbm>> -> memref<80x128xi32, #tpu.memory_space<hbm>>
      tpu.enqueue_dma source(%dma_start3A_53 : memref<80x128xi32, #tpu.memory_space<hbm>>) target(%arg8 : memref<80x128xi32, #tpu.memory_space<vmem>>) target_semaphore(%run_scoped3A_47 : memref<!tpu.dma_semaphore, #tpu.memory_space<semaphore_mem>>)
      %dma_wait3A = arith.constant 0 : i32
      %dma_wait3A_54 = tpu.memref_slice %arg4[%run_scoped3A_22, %arg0, %mul3A_0, %dma_wait3A] : memref<2x2x1280x128xi32, #tpu.memory_space<hbm>> -> memref<1x1x80x128xi32, #tpu.memory_space<hbm>>
      %dma_wait3A_55 = tpu.memref_squeeze %dma_wait3A_54 : memref<1x1x80x128xi32, #tpu.memory_space<hbm>> -> memref<80x128xi32, #tpu.memory_space<hbm>>
      %dma_wait3A_56 = arith.constant 0 : i32
      %dma_wait3A_57 = tpu.memref_slice %arg4[%run_scoped3A_22, %arg0, %mul3A_0, %dma_wait3A_56] : memref<2x2x1280x128xi32, #tpu.memory_space<hbm>> -> memref<1x1x80x128xi32, #tpu.memory_space<hbm>>
      %dma_wait3A_58 = tpu.memref_squeeze %dma_wait3A_57 : memref<1x1x80x128xi32, #tpu.memory_space<hbm>> -> memref<80x128xi32, #tpu.memory_space<hbm>>
      tpu.wait_dma2 semaphore(%run_scoped3A_47 : memref<!tpu.dma_semaphore, #tpu.memory_space<semaphore_mem>>) src(%dma_wait3A_58 : memref<80x128xi32, #tpu.memory_space<hbm>>) dst(%arg8 : memref<80x128xi32, #tpu.memory_space<vmem>>)
      tpu.yield
    }) : () -> ()
    %mul3A_23 = arith.constant 320 : i32
    %mul3A_24 = arith.muli %arg1, %mul3A_23 : i32
    %mul3A_25 = arith.constant 320 : i32
    %mul3A_26 = arith.muli %arg1, %mul3A_25 : i32
    "tpu.region"() ({
      %run_scoped3A_47 = tpu.sem_alloc : memref<!tpu.dma_semaphore, #tpu.memory_space<semaphore_mem>>
      %dma_start3A_48 = arith.constant 0 : i32
      %dma_start3A_49 = tpu.memref_slice %arg11[%mul3A_26, %dma_start3A_48] : memref<5120x128xf32, #tpu.memory_space<vmem_shared>> -> memref<320x128xf32, #tpu.memory_space<vmem_shared>>
      %dma_start3A_50 = arith.constant 0 : i32
      %dma_start3A_51 = tpu.memref_slice %arg5[%mul3A_24, %dma_start3A_50] : memref<5120x128xf32, #tpu.memory_space<hbm>> -> memref<320x128xf32, #tpu.memory_space<hbm>>
      tpu.enqueue_dma source(%dma_start3A_51 : memref<320x128xf32, #tpu.memory_space<hbm>>) target(%dma_start3A_49 : memref<320x128xf32, #tpu.memory_space<vmem_shared>>) target_semaphore(%run_scoped3A_47 : memref<!tpu.dma_semaphore, #tpu.memory_space<semaphore_mem>>)
      %dma_wait3A = arith.constant 0 : i32
      %dma_wait3A_52 = tpu.memref_slice %arg11[%mul3A_26, %dma_wait3A] : memref<5120x128xf32, #tpu.memory_space<vmem_shared>> -> memref<320x128xf32, #tpu.memory_space<vmem_shared>>
      %dma_wait3A_53 = arith.constant 0 : i32
      %dma_wait3A_54 = tpu.memref_slice %arg5[%mul3A_24, %dma_wait3A_53] : memref<5120x128xf32, #tpu.memory_space<hbm>> -> memref<320x128xf32, #tpu.memory_space<hbm>>
      tpu.wait_dma2 semaphore(%run_scoped3A_47 : memref<!tpu.dma_semaphore, #tpu.memory_space<semaphore_mem>>) src(%dma_wait3A_54 : memref<320x128xf32, #tpu.memory_space<hbm>>) dst(%dma_wait3A_52 : memref<320x128xf32, #tpu.memory_space<vmem_shared>>)
      tpu.yield
    }) : () -> ()
    %barrier3A_27 = arith.constant 0 : index
    tpu.barrier barrier_id(%barrier3A_27)
    %dma_start3A_28 = arith.constant 0 : i32
    %dma_start3A_29 = arith.constant 0 : i32
    %dma_start3A_30 = tpu.memref_slice %arg7[%dma_start3A_28, %dma_start3A_29] : memref<80x128xi32, #tpu.memory_space<vmem>> -> memref<1x128xi32, #tpu.memory_space<vmem>>
    %dma_start3A_31 = tpu.memref_squeeze %dma_start3A_30 : memref<1x128xi32, #tpu.memory_space<vmem>> -> memref<128xi32, #tpu.memory_space<vmem>>
    %dma_start3A_32 = arith.constant 0 : i32
    %dma_start3A_33 = arith.constant 0 : i32
    %dma_start3A_34 = tpu.memref_slice %arg2[%dma_start3A_32, %dma_start3A_33] : memref<20000x128xf32, #tpu.memory_space<hbm>> -> memref<20000x128xf32, #tpu.memory_space<hbm>>
    tpu.enqueue_indirect_dma source(%dma_start3A_34 : memref<20000x128xf32, #tpu.memory_space<hbm>>) target(%arg9 : memref<128x128xf32, #tpu.memory_space<vmem>>) offsets(%dma_start3A_31 : memref<128xi32, #tpu.memory_space<vmem>>) semaphore(%arg12 : memref<!tpu.dma_semaphore, #tpu.memory_space<semaphore_mem>>)
    %scan3A_35 = arith.constant 0 : i32
    %scan3A_36 = arith.constant 0 : i32
    %scan3A_37 = arith.constant 40 : i32
    %scan3A_38 = arith.addi %scan3A_36, %scan3A_37 : i32
    %scan3A_39 = arith.constant 1 : i32
    scf.for %scan3A_47 = %scan3A_36 to %scan3A_38 step %scan3A_39  : i32 {
      %mul3A_48 = arith.constant 2 : i32
      %mul3A_49 = arith.muli %mul3A_48, %scan3A_47 : i32
      %mul3A_50 = arith.constant 2 : i32
      %mul3A_51 = arith.muli %mul3A_50, %scan3A_47 : i32
      %add3A = arith.constant 1 : i32
      %add3A_52 = arith.addi %mul3A_51, %add3A : i32
      %dma_start3A_53 = arith.constant 0 : i32
      %dma_start3A_54 = tpu.memref_slice %arg7[%add3A_52, %dma_start3A_53] : memref<80x128xi32, #tpu.memory_space<vmem>> -> memref<1x128xi32, #tpu.memory_space<vmem>>
      %dma_start3A_55 = tpu.memref_squeeze %dma_start3A_54 : memref<1x128xi32, #tpu.memory_space<vmem>> -> memref<128xi32, #tpu.memory_space<vmem>>
      %dma_start3A_56 = arith.constant 0 : i32
      %dma_start3A_57 = arith.constant 0 : i32
      %dma_start3A_58 = tpu.memref_slice %arg2[%dma_start3A_56, %dma_start3A_57] : memref<20000x128xf32, #tpu.memory_space<hbm>> -> memref<20000x128xf32, #tpu.memory_space<hbm>>
      tpu.enqueue_indirect_dma source(%dma_start3A_58 : memref<20000x128xf32, #tpu.memory_space<hbm>>) target(%arg10 : memref<128x128xf32, #tpu.memory_space<vmem>>) offsets(%dma_start3A_55 : memref<128xi32, #tpu.memory_space<vmem>>) semaphore(%arg13 : memref<!tpu.dma_semaphore, #tpu.memory_space<semaphore_mem>>)
      %dma_wait3A = arith.constant 0 : i32
      %dma_wait3A_59 = tpu.memref_slice %arg7[%mul3A_49, %dma_wait3A] : memref<80x128xi32, #tpu.memory_space<vmem>> -> memref<1x128xi32, #tpu.memory_space<vmem>>
      %dma_wait3A_60 = tpu.memref_squeeze %dma_wait3A_59 : memref<1x128xi32, #tpu.memory_space<vmem>> -> memref<128xi32, #tpu.memory_space<vmem>>
      %dma_wait3A_61 = arith.constant 0 : i32
      %dma_wait3A_62 = arith.constant 0 : i32
      %dma_wait3A_63 = tpu.memref_slice %arg2[%dma_wait3A_61, %dma_wait3A_62] : memref<20000x128xf32, #tpu.memory_space<hbm>> -> memref<20000x128xf32, #tpu.memory_space<hbm>>
      tpu.wait_indirect_dma semaphore(%arg12 : memref<!tpu.dma_semaphore, #tpu.memory_space<semaphore_mem>>) src(%dma_wait3A_63 : memref<20000x128xf32, #tpu.memory_space<hbm>>) dst(%arg9 : memref<128x128xf32, #tpu.memory_space<vmem>>)
      "tpu.region"() ({
        %run_scoped3A_72 = tpu.sem_alloc : memref<!tpu.dma_semaphore, #tpu.memory_space<semaphore_mem>>
        %dma_start3A_73 = arith.constant 0 : i32
        %dma_start3A_74 = tpu.memref_slice %arg8[%mul3A_49, %dma_start3A_73] : memref<80x128xi32, #tpu.memory_space<vmem>> -> memref<1x128xi32, #tpu.memory_space<vmem>>
        %dma_start3A_75 = tpu.memref_squeeze %dma_start3A_74 : memref<1x128xi32, #tpu.memory_space<vmem>> -> memref<128xi32, #tpu.memory_space<vmem>>
        %dma_start3A_76 = arith.constant 0 : i32
        %dma_start3A_77 = arith.constant 0 : i32
        %dma_start3A_78 = tpu.memref_slice %arg11[%dma_start3A_76, %dma_start3A_77] : memref<5120x128xf32, #tpu.memory_space<vmem_shared>> -> memref<5120x128xf32, #tpu.memory_space<vmem_shared>>
        tpu.enqueue_indirect_dma source(%arg9 : memref<128x128xf32, #tpu.memory_space<vmem>>) target(%dma_start3A_78 : memref<5120x128xf32, #tpu.memory_space<vmem_shared>>) offsets(%dma_start3A_75 : memref<128xi32, #tpu.memory_space<vmem>>) semaphore(%run_scoped3A_72 : memref<!tpu.dma_semaphore, #tpu.memory_space<semaphore_mem>>) {add = true}
        %dma_wait3A_79 = arith.constant 0 : i32
        %dma_wait3A_80 = tpu.memref_slice %arg8[%mul3A_49, %dma_wait3A_79] : memref<80x128xi32, #tpu.memory_space<vmem>> -> memref<1x128xi32, #tpu.memory_space<vmem>>
        %dma_wait3A_81 = tpu.memref_squeeze %dma_wait3A_80 : memref<1x128xi32, #tpu.memory_space<vmem>> -> memref<128xi32, #tpu.memory_space<vmem>>
        %dma_wait3A_82 = arith.constant 0 : i32
        %dma_wait3A_83 = arith.constant 0 : i32
        %dma_wait3A_84 = tpu.memref_slice %arg11[%dma_wait3A_82, %dma_wait3A_83] : memref<5120x128xf32, #tpu.memory_space<vmem_shared>> -> memref<5120x128xf32, #tpu.memory_space<vmem_shared>>
        tpu.wait_indirect_dma semaphore(%run_scoped3A_72 : memref<!tpu.dma_semaphore, #tpu.memory_space<semaphore_mem>>) src(%arg9 : memref<128x128xf32, #tpu.memory_space<vmem>>) dst(%dma_wait3A_84 : memref<5120x128xf32, #tpu.memory_space<vmem_shared>>)
        tpu.yield
      }) : () -> ()
      %lt3A = arith.constant 39 : i32
      %lt3A_64 = arith.cmpi slt, %scan3A_47, %lt3A : i32
      %convert_element_type3A = arith.extui %lt3A_64 : i1 to i32
      %cond3A = arith.constant 0 : i32
      %cond3A_65 = arith.cmpi ne, %convert_element_type3A, %cond3A : i32
      scf.if %cond3A_65 {
        %add3A_72 = arith.constant 2 : i32
        %add3A_73 = arith.addi %mul3A_49, %add3A_72 : i32
        %dma_start3A_74 = arith.constant 0 : i32
        %dma_start3A_75 = tpu.memref_slice %arg7[%add3A_73, %dma_start3A_74] : memref<80x128xi32, #tpu.memory_space<vmem>> -> memref<1x128xi32, #tpu.memory_space<vmem>>
        %dma_start3A_76 = tpu.memref_squeeze %dma_start3A_75 : memref<1x128xi32, #tpu.memory_space<vmem>> -> memref<128xi32, #tpu.memory_space<vmem>>
        %dma_start3A_77 = arith.constant 0 : i32
        %dma_start3A_78 = arith.constant 0 : i32
        %dma_start3A_79 = tpu.memref_slice %arg2[%dma_start3A_77, %dma_start3A_78] : memref<20000x128xf32, #tpu.memory_space<hbm>> -> memref<20000x128xf32, #tpu.memory_space<hbm>>
        tpu.enqueue_indirect_dma source(%dma_start3A_79 : memref<20000x128xf32, #tpu.memory_space<hbm>>) target(%arg9 : memref<128x128xf32, #tpu.memory_space<vmem>>) offsets(%dma_start3A_76 : memref<128xi32, #tpu.memory_space<vmem>>) semaphore(%arg12 : memref<!tpu.dma_semaphore, #tpu.memory_space<semaphore_mem>>)
      } else {
      }
      %dma_wait3A_66 = arith.constant 0 : i32
      %dma_wait3A_67 = tpu.memref_slice %arg7[%add3A_52, %dma_wait3A_66] : memref<80x128xi32, #tpu.memory_space<vmem>> -> memref<1x128xi32, #tpu.memory_space<vmem>>
      %dma_wait3A_68 = tpu.memref_squeeze %dma_wait3A_67 : memref<1x128xi32, #tpu.memory_space<vmem>> -> memref<128xi32, #tpu.memory_space<vmem>>
      %dma_wait3A_69 = arith.constant 0 : i32
      %dma_wait3A_70 = arith.constant 0 : i32
      %dma_wait3A_71 = tpu.memref_slice %arg2[%dma_wait3A_69, %dma_wait3A_70] : memref<20000x128xf32, #tpu.memory_space<hbm>> -> memref<20000x128xf32, #tpu.memory_space<hbm>>
      tpu.wait_indirect_dma semaphore(%arg13 : memref<!tpu.dma_semaphore, #tpu.memory_space<semaphore_mem>>) src(%dma_wait3A_71 : memref<20000x128xf32, #tpu.memory_space<hbm>>) dst(%arg10 : memref<128x128xf32, #tpu.memory_space<vmem>>)
      "tpu.region"() ({
        %run_scoped3A_72 = tpu.sem_alloc : memref<!tpu.dma_semaphore, #tpu.memory_space<semaphore_mem>>
        %dma_start3A_73 = arith.constant 0 : i32
        %dma_start3A_74 = tpu.memref_slice %arg8[%add3A_52, %dma_start3A_73] : memref<80x128xi32, #tpu.memory_space<vmem>> -> memref<1x128xi32, #tpu.memory_space<vmem>>
        %dma_start3A_75 = tpu.memref_squeeze %dma_start3A_74 : memref<1x128xi32, #tpu.memory_space<vmem>> -> memref<128xi32, #tpu.memory_space<vmem>>
        %dma_start3A_76 = arith.constant 0 : i32
        %dma_start3A_77 = arith.constant 0 : i32
        %dma_start3A_78 = tpu.memref_slice %arg11[%dma_start3A_76, %dma_start3A_77] : memref<5120x128xf32, #tpu.memory_space<vmem_shared>> -> memref<5120x128xf32, #tpu.memory_space<vmem_shared>>
        tpu.enqueue_indirect_dma source(%arg10 : memref<128x128xf32, #tpu.memory_space<vmem>>) target(%dma_start3A_78 : memref<5120x128xf32, #tpu.memory_space<vmem_shared>>) offsets(%dma_start3A_75 : memref<128xi32, #tpu.memory_space<vmem>>) semaphore(%run_scoped3A_72 : memref<!tpu.dma_semaphore, #tpu.memory_space<semaphore_mem>>) {add = true}
        %dma_wait3A_79 = arith.constant 0 : i32
        %dma_wait3A_80 = tpu.memref_slice %arg8[%add3A_52, %dma_wait3A_79] : memref<80x128xi32, #tpu.memory_space<vmem>> -> memref<1x128xi32, #tpu.memory_space<vmem>>
        %dma_wait3A_81 = tpu.memref_squeeze %dma_wait3A_80 : memref<1x128xi32, #tpu.memory_space<vmem>> -> memref<128xi32, #tpu.memory_space<vmem>>
        %dma_wait3A_82 = arith.constant 0 : i32
        %dma_wait3A_83 = arith.constant 0 : i32
        %dma_wait3A_84 = tpu.memref_slice %arg11[%dma_wait3A_82, %dma_wait3A_83] : memref<5120x128xf32, #tpu.memory_space<vmem_shared>> -> memref<5120x128xf32, #tpu.memory_space<vmem_shared>>
        tpu.wait_indirect_dma semaphore(%run_scoped3A_72 : memref<!tpu.dma_semaphore, #tpu.memory_space<semaphore_mem>>) src(%arg10 : memref<128x128xf32, #tpu.memory_space<vmem>>) dst(%dma_wait3A_84 : memref<5120x128xf32, #tpu.memory_space<vmem_shared>>)
        tpu.yield
      }) : () -> ()
    }
    %scan3A_40 = arith.constant 40 : i32
    %barrier3A_41 = arith.constant 0 : index
    tpu.barrier barrier_id(%barrier3A_41)
    %mul3A_42 = arith.constant 320 : i32
    %mul3A_43 = arith.muli %arg1, %mul3A_42 : i32
    %mul3A_44 = arith.constant 320 : i32
    %mul3A_45 = arith.muli %arg1, %mul3A_44 : i32
    %run_scoped3A_46 = arith.constant 1 : i32
    "tpu.region"() ({
      %run_scoped3A_47 = tpu.sem_alloc : memref<!tpu.dma_semaphore, #tpu.memory_space<semaphore_mem>>
      %dma_start3A_48 = arith.constant 0 : i32
      %dma_start3A_49 = tpu.memref_slice %arg6[%arg0, %run_scoped3A_46, %mul3A_45, %dma_start3A_48] : memref<2x2x5120x128xf32, #tpu.memory_space<hbm>> -> memref<1x1x320x128xf32, #tpu.memory_space<hbm>>
      %dma_start3A_50 = tpu.memref_squeeze %dma_start3A_49 : memref<1x1x320x128xf32, #tpu.memory_space<hbm>> -> memref<320x128xf32, #tpu.memory_space<hbm>>
      %dma_start3A_51 = arith.constant 0 : i32
      %dma_start3A_52 = tpu.memref_slice %arg11[%mul3A_43, %dma_start3A_51] : memref<5120x128xf32, #tpu.memory_space<vmem_shared>> -> memref<320x128xf32, #tpu.memory_space<vmem_shared>>
      tpu.enqueue_dma source(%dma_start3A_52 : memref<320x128xf32, #tpu.memory_space<vmem_shared>>) target(%dma_start3A_50 : memref<320x128xf32, #tpu.memory_space<hbm>>) target_semaphore(%run_scoped3A_47 : memref<!tpu.dma_semaphore, #tpu.memory_space<semaphore_mem>>)
      %dma_wait3A = arith.constant 0 : i32
      %dma_wait3A_53 = tpu.memref_slice %arg6[%arg0, %run_scoped3A_46, %mul3A_45, %dma_wait3A] : memref<2x2x5120x128xf32, #tpu.memory_space<hbm>> -> memref<1x1x320x128xf32, #tpu.memory_space<hbm>>
      %dma_wait3A_54 = tpu.memref_squeeze %dma_wait3A_53 : memref<1x1x320x128xf32, #tpu.memory_space<hbm>> -> memref<320x128xf32, #tpu.memory_space<hbm>>
      %dma_wait3A_55 = arith.constant 0 : i32
      %dma_wait3A_56 = tpu.memref_slice %arg11[%mul3A_43, %dma_wait3A_55] : memref<5120x128xf32, #tpu.memory_space<vmem_shared>> -> memref<320x128xf32, #tpu.memory_space<vmem_shared>>
      tpu.wait_dma2 semaphore(%run_scoped3A_47 : memref<!tpu.dma_semaphore, #tpu.memory_space<semaphore_mem>>) src(%dma_wait3A_56 : memref<320x128xf32, #tpu.memory_space<vmem_shared>>) dst(%dma_wait3A_54 : memref<320x128xf32, #tpu.memory_space<hbm>>)
      tpu.yield
    }) : () -> ()
    return
  }
}

module attributes {stable_mosaic.version = 14 : i64} {
  func.func @xw1_body(%arg0: i32, %arg1: i32, %arg2: memref<1000x256xf32, #tpu.memory_space<vmem>>, %arg3: memref<256x128xf32, #tpu.memory_space<vmem>>, %arg4: memref<2x1000x1xf32, #tpu.memory_space<vmem>>, %arg5: memref<1x1000x128xf32, #tpu.memory_space<vmem>>, %arg6: memref<1000x1xf32, #tpu.memory_space<vmem>>) attributes {dimension_semantics = [#tpu.dimension_semantics<arbitrary>, #tpu.dimension_semantics<arbitrary>], iteration_bounds = array<i64: 2, 10>, scalar_prefetch = 0 : i64, scratch_operands = 0 : i64, tpu.core_type = #tpu.core_type<tc>, window_params = [{transform_indices = @transform_0, window_bounds = array<i64: 1000, 256>}, {transform_indices = @transform_1, window_bounds = array<i64: 256, 128>}, {transform_indices = @transform_2, window_bounds = array<i64: 2, 1000, 1>}, {transform_indices = @transform_3, window_bounds = array<i64: 1, 1000, 128>}, {transform_indices = @transform_4, window_bounds = array<i64: 1000, 1>}]} {
    %get3A = arith.constant 0 : index
    %get3A_0 = arith.constant 0 : index
    %get3A_1 = arith.constant 0 : index
    %get3A_2 = vector.load %arg4[%get3A, %get3A_0, %get3A_1] : memref<2x1000x1xf32, #tpu.memory_space<vmem>>, vector<1x1000x1xf32>
    %get3A_3 = vector.shape_cast %get3A_2 : vector<1x1000x1xf32> to vector<1000x1xf32>
    %get3A_4 = arith.constant 1 : index
    %get3A_5 = arith.constant 0 : index
    %get3A_6 = arith.constant 0 : index
    %get3A_7 = vector.load %arg4[%get3A_4, %get3A_5, %get3A_6] : memref<2x1000x1xf32, #tpu.memory_space<vmem>>, vector<1x1000x1xf32>
    %get3A_8 = vector.shape_cast %get3A_7 : vector<1x1000x1xf32> to vector<1000x1xf32>
    %add3A = arith.addf %get3A_3, %get3A_8 : vector<1000x1xf32>
    %add3A_9 = arith.constant 2.000000e+00 : f32
    %add3A_10 = vector.broadcast %add3A_9 : f32 to vector<1000x1xf32>
    %add3A_11 = arith.addf %add3A, %add3A_10 : vector<1000x1xf32>
    %rsqrt3A = math.rsqrt %add3A_11 : vector<1000x1xf32>
    %get3A_12 = arith.constant 0 : index
    %get3A_13 = arith.constant 0 : index
    %get3A_14 = vector.load %arg2[%get3A_12, %get3A_13] : memref<1000x256xf32, #tpu.memory_space<vmem>>, vector<1000x256xf32>
    %get3A_15 = arith.constant 0 : index
    %get3A_16 = arith.constant 0 : index
    %get3A_17 = vector.load %arg3[%get3A_15, %get3A_16] : memref<256x128xf32, #tpu.memory_space<vmem>>, vector<256x128xf32>
    %dot_general3A = arith.constant dense<0.000000e+00> : vector<1000x128xf32>
    %dot_general3A_18 = tpu.matmul %get3A_14, %get3A_17, %dot_general3A {dimension_numbers = #tpu.dot_dimension_numbers<[1], [0], [0], [1], [0, 0, 1, 1], [], []>, transpose_lhs_hint = false} : vector<1000x256xf32>, vector<256x128xf32>, vector<1000x128xf32> -> vector<1000x128xf32>
    %mul3A = vector.broadcast %rsqrt3A : vector<1000x1xf32> to vector<1000x128xf32>
    %mul3A_19 = arith.mulf %dot_general3A_18, %mul3A : vector<1000x128xf32>
    %swap3A = arith.constant 0 : index
    %swap3A_20 = arith.constant 0 : index
    %swap3A_21 = arith.constant 0 : index
    %swap3A_22 = vector.load %arg5[%swap3A, %swap3A_20, %swap3A_21] : memref<1x1000x128xf32, #tpu.memory_space<vmem>>, vector<1x1000x128xf32>
    %swap3A_23 = vector.shape_cast %swap3A_22 : vector<1x1000x128xf32> to vector<1000x128xf32>
    %swap3A_24 = vector.shape_cast %mul3A_19 : vector<1000x128xf32> to vector<1x1000x128xf32>
    tpu.vector_store %arg5[%swap3A, %swap3A_20, %swap3A_21], %swap3A_24 {strides = array<i32>} : memref<1x1000x128xf32, #tpu.memory_space<vmem>>, vector<1x1000x128xf32>,
    %swap3A_25 = arith.constant 0 : index
    %swap3A_26 = arith.constant 0 : index
    %swap3A_27 = vector.load %arg6[%swap3A_25, %swap3A_26] : memref<1000x1xf32, #tpu.memory_space<vmem>>, vector<1000x1xf32>
    tpu.vector_store %arg6[%swap3A_25, %swap3A_26], %rsqrt3A {strides = array<i32>} : memref<1000x1xf32, #tpu.memory_space<vmem>>, vector<1000x1xf32>,
    return
  }
  func.func @transform_0(%arg0: i32, %arg1: i32) -> (i32, i32) {
    %c0_i32 = arith.constant 0 : i32
    %c0_i32_0 = arith.constant 0 : i32
    return %arg1, %c0_i32 : i32, i32
  }
  func.func @transform_1(%arg0: i32, %arg1: i32) -> (i32, i32) {
    %c0_i32 = arith.constant 0 : i32
    %c0_i32_0 = arith.constant 0 : i32
    return %c0_i32, %arg0 : i32, i32
  }
  func.func @transform_2(%arg0: i32, %arg1: i32) -> (i32, i32, i32) {
    %c0_i32 = arith.constant 0 : i32
    %c0_i32_0 = arith.constant 0 : i32
    %c0_i32_1 = arith.constant 0 : i32
    return %c0_i32, %arg1, %c0_i32_0 : i32, i32, i32
  }
  func.func @transform_3(%arg0: i32, %arg1: i32) -> (i32, i32, i32) {
    %c0_i32 = arith.constant 0 : i32
    %c0_i32_0 = arith.constant 0 : i32
    return %arg0, %arg1, %c0_i32 : i32, i32, i32
  }
  func.func @transform_4(%arg0: i32, %arg1: i32) -> (i32, i32) {
    %c0_i32 = arith.constant 0 : i32
    %c0_i32_0 = arith.constant 0 : i32
    return %arg1, %c0_i32 : i32, i32
  }
}

module attributes {stable_mosaic.version = 14 : i64} {
  func.func @layer2_body(%arg0: i32, %arg1: memref<2x1x1000x128xf32, #tpu.memory_space<vmem>>, %arg2: memref<2x1000x128xf32, #tpu.memory_space<vmem>>, %arg3: memref<1000x1xf32, #tpu.memory_space<vmem>>, %arg4: memref<1x256xf32, #tpu.memory_space<vmem>>, %arg5: memref<256x40xf32, #tpu.memory_space<vmem>>, %arg6: memref<2x1000x128xf32, #tpu.memory_space<vmem>>) attributes {dimension_semantics = [#tpu.dimension_semantics<arbitrary>], iteration_bounds = array<i64: 10>, scalar_prefetch = 0 : i64, scratch_operands = 0 : i64, tpu.core_type = #tpu.core_type<tc>, window_params = [{transform_indices = @transform_0, window_bounds = array<i64: 2, 1, 1000, 128>}, {transform_indices = @transform_1, window_bounds = array<i64: 2, 1000, 128>}, {transform_indices = @transform_2, window_bounds = array<i64: 1000, 1>}, {pipeline_mode = #tpu.pipeline_mode<synchronous>, transform_indices = @transform_3, window_bounds = array<i64: 1, 256>}, {pipeline_mode = #tpu.pipeline_mode<synchronous>, transform_indices = @transform_4, window_bounds = array<i64: 256, 40>}, {transform_indices = @transform_5, window_bounds = array<i64: 2, 1000, 128>}]} {
    %get3A = arith.constant 0 : index
    %get3A_0 = arith.constant 0 : index
    %get3A_1 = vector.load %arg3[%get3A, %get3A_0] : memref<1000x1xf32, #tpu.memory_space<vmem>>, vector<1000x1xf32>
    %get3A_2 = arith.constant 0 : index
    %get3A_3 = arith.constant 0 : index
    %get3A_4 = arith.constant 0 : index
    %get3A_5 = arith.constant 0 : index
    %get3A_6 = vector.load %arg1[%get3A_2, %get3A_3, %get3A_4, %get3A_5] : memref<2x1x1000x128xf32, #tpu.memory_space<vmem>>, vector<1x1x1000x128xf32>
    %get3A_7 = vector.shape_cast %get3A_6 : vector<1x1x1000x128xf32> to vector<1000x128xf32>
    %get3A_8 = arith.constant 0 : index
    %get3A_9 = arith.constant 0 : index
    %get3A_10 = arith.constant 0 : index
    %get3A_11 = vector.load %arg2[%get3A_8, %get3A_9, %get3A_10] : memref<2x1000x128xf32, #tpu.memory_space<vmem>>, vector<1x1000x128xf32>
    %get3A_12 = vector.shape_cast %get3A_11 : vector<1x1000x128xf32> to vector<1000x128xf32>
    %mul3A = arith.constant 2.000000e+00 : f32
    %mul3A_13 = vector.broadcast %mul3A : f32 to vector<1000x128xf32>
    %mul3A_14 = arith.mulf %mul3A_13, %get3A_12 : vector<1000x128xf32>
    %add3A = arith.addf %get3A_7, %mul3A_14 : vector<1000x128xf32>
    %mul3A_15 = vector.broadcast %get3A_1 : vector<1000x1xf32> to vector<1000x128xf32>
    %mul3A_16 = arith.mulf %mul3A_15, %add3A : vector<1000x128xf32>
    %get3A_17 = arith.constant 0 : index
    %get3A_18 = arith.constant 0 : index
    %get3A_19 = vector.load %arg4[%get3A_17, %get3A_18] : memref<1x256xf32, #tpu.memory_space<vmem>>, vector<1x128xf32>
    %add3A_20 = vector.broadcast %get3A_19 : vector<1x128xf32> to vector<1000x128xf32>
    %add3A_21 = arith.addf %mul3A_16, %add3A_20 : vector<1000x128xf32>
    %max3A = arith.constant 0.000000e+00 : f32
    %max3A_22 = vector.broadcast %max3A : f32 to vector<1000x128xf32>
    %max3A_23 = arith.maximumf %add3A_21, %max3A_22 : vector<1000x128xf32>
    %get3A_24 = arith.constant 1 : index
    %get3A_25 = arith.constant 0 : index
    %get3A_26 = arith.constant 0 : index
    %get3A_27 = arith.constant 0 : index
    %get3A_28 = vector.load %arg1[%get3A_24, %get3A_25, %get3A_26, %get3A_27] : memref<2x1x1000x128xf32, #tpu.memory_space<vmem>>, vector<1x1x1000x128xf32>
    %get3A_29 = vector.shape_cast %get3A_28 : vector<1x1x1000x128xf32> to vector<1000x128xf32>
    %get3A_30 = arith.constant 1 : index
    %get3A_31 = arith.constant 0 : index
    %get3A_32 = arith.constant 0 : index
    %get3A_33 = vector.load %arg2[%get3A_30, %get3A_31, %get3A_32] : memref<2x1000x128xf32, #tpu.memory_space<vmem>>, vector<1x1000x128xf32>
    %get3A_34 = vector.shape_cast %get3A_33 : vector<1x1000x128xf32> to vector<1000x128xf32>
    %mul3A_35 = arith.constant 2.000000e+00 : f32
    %mul3A_36 = vector.broadcast %mul3A_35 : f32 to vector<1000x128xf32>
    %mul3A_37 = arith.mulf %mul3A_36, %get3A_34 : vector<1000x128xf32>
    %add3A_38 = arith.addf %get3A_29, %mul3A_37 : vector<1000x128xf32>
    %mul3A_39 = vector.broadcast %get3A_1 : vector<1000x1xf32> to vector<1000x128xf32>
    %mul3A_40 = arith.mulf %mul3A_39, %add3A_38 : vector<1000x128xf32>
    %get3A_41 = arith.constant 0 : index
    %get3A_42 = arith.constant 128 : index
    %get3A_43 = vector.load %arg4[%get3A_41, %get3A_42] : memref<1x256xf32, #tpu.memory_space<vmem>>, vector<1x128xf32>
    %add3A_44 = vector.broadcast %get3A_43 : vector<1x128xf32> to vector<1000x128xf32>
    %add3A_45 = arith.addf %mul3A_40, %add3A_44 : vector<1000x128xf32>
    %max3A_46 = arith.constant 0.000000e+00 : f32
    %max3A_47 = vector.broadcast %max3A_46 : f32 to vector<1000x128xf32>
    %max3A_48 = arith.maximumf %add3A_45, %max3A_47 : vector<1000x128xf32>
    %get3A_49 = arith.constant 0 : index
    %get3A_50 = arith.constant 0 : index
    %get3A_51 = vector.load %arg5[%get3A_49, %get3A_50] : memref<256x40xf32, #tpu.memory_space<vmem>>, vector<128x40xf32>
    %dot_general3A = arith.constant dense<0.000000e+00> : vector<1000x40xf32>
    %dot_general3A_52 = tpu.matmul %max3A_23, %get3A_51, %dot_general3A {dimension_numbers = #tpu.dot_dimension_numbers<[1], [0], [0], [1], [0, 0, 1, 1], [], []>, transpose_lhs_hint = false} : vector<1000x128xf32>, vector<128x40xf32>, vector<1000x40xf32> -> vector<1000x40xf32>
    %get3A_53 = arith.constant 128 : index
    %get3A_54 = arith.constant 0 : index
    %get3A_55 = vector.load %arg5[%get3A_53, %get3A_54] : memref<256x40xf32, #tpu.memory_space<vmem>>, vector<128x40xf32>
    %dot_general3A_56 = arith.constant dense<0.000000e+00> : vector<1000x40xf32>
    %dot_general3A_57 = tpu.matmul %max3A_48, %get3A_55, %dot_general3A_56 {dimension_numbers = #tpu.dot_dimension_numbers<[1], [0], [0], [1], [0, 0, 1, 1], [], []>, transpose_lhs_hint = false} : vector<1000x128xf32>, vector<128x40xf32>, vector<1000x40xf32> -> vector<1000x40xf32>
    %add3A_58 = arith.addf %dot_general3A_52, %dot_general3A_57 : vector<1000x40xf32>
    %mul3A_59 = vector.broadcast %get3A_1 : vector<1000x1xf32> to vector<1000x40xf32>
    %mul3A_60 = arith.mulf %mul3A_59, %add3A_58 : vector<1000x40xf32>
    %broadcast_in_dim3A = arith.constant 0.000000e+00 : f32
    %broadcast_in_dim3A_61 = vector.broadcast %broadcast_in_dim3A : f32 to vector<1000x24xf32>
    %broadcast_in_dim3A_62 = arith.constant 0.000000e+00 : f32
    %broadcast_in_dim3A_63 = vector.broadcast %broadcast_in_dim3A_62 : f32 to vector<1000x64xf32>
    %concatenate3A = tpu.concatenate %mul3A_60, %broadcast_in_dim3A_61, %broadcast_in_dim3A_63 in 1 : vector<1000x40xf32>, vector<1000x24xf32>, vector<1000x64xf32> -> vector<1000x128xf32>
    %swap3A = arith.constant 0 : index
    %swap3A_64 = arith.constant 0 : index
    %swap3A_65 = arith.constant 0 : index
    %swap3A_66 = vector.load %arg6[%swap3A, %swap3A_64, %swap3A_65] : memref<2x1000x128xf32, #tpu.memory_space<vmem>>, vector<1x1000x128xf32>
    %swap3A_67 = vector.shape_cast %swap3A_66 : vector<1x1000x128xf32> to vector<1000x128xf32>
    %swap3A_68 = vector.shape_cast %concatenate3A : vector<1000x128xf32> to vector<1x1000x128xf32>
    tpu.vector_store %arg6[%swap3A, %swap3A_64, %swap3A_65], %swap3A_68 {strides = array<i32>} : memref<2x1000x128xf32, #tpu.memory_space<vmem>>, vector<1x1000x128xf32>,
    %concatenate3A_69 = tpu.concatenate %broadcast_in_dim3A_63, %mul3A_60, %broadcast_in_dim3A_61 in 1 : vector<1000x64xf32>, vector<1000x40xf32>, vector<1000x24xf32> -> vector<1000x128xf32>
    %swap3A_70 = arith.constant 1 : index
    %swap3A_71 = arith.constant 0 : index
    %swap3A_72 = arith.constant 0 : index
    %swap3A_73 = vector.load %arg6[%swap3A_70, %swap3A_71, %swap3A_72] : memref<2x1000x128xf32, #tpu.memory_space<vmem>>, vector<1x1000x128xf32>
    %swap3A_74 = vector.shape_cast %swap3A_73 : vector<1x1000x128xf32> to vector<1000x128xf32>
    %swap3A_75 = vector.shape_cast %concatenate3A_69 : vector<1000x128xf32> to vector<1x1000x128xf32>
    tpu.vector_store %arg6[%swap3A_70, %swap3A_71, %swap3A_72], %swap3A_75 {strides = array<i32>} : memref<2x1000x128xf32, #tpu.memory_space<vmem>>, vector<1x1000x128xf32>,
    return
  }
  func.func @transform_0(%arg0: i32) -> (i32, i32, i32, i32) {
    %jit3A = arith.constant 5 : i32
    %div3A = arith.divsi %arg0, %jit3A : i32
    %sign3A = arith.constant 0 : i32
    %sign3A_0 = arith.cmpi sgt, %arg0, %sign3A : i32
    %sign3A_1 = arith.extui %sign3A_0 : i1 to i32
    %sign3A_2 = arith.constant 0 : i32
    %sign3A_3 = arith.cmpi slt, %arg0, %sign3A_2 : i32
    %sign3A_4 = arith.extui %sign3A_3 : i1 to i32
    %sign3A_5 = arith.subi %sign3A_1, %sign3A_4 : i32
    %sign3A_6 = arith.constant 0 : i32
    %sign3A_7 = arith.cmpi sgt, %jit3A, %sign3A_6 : i32
    %sign3A_8 = arith.extui %sign3A_7 : i1 to i32
    %sign3A_9 = arith.constant 0 : i32
    %sign3A_10 = arith.cmpi slt, %jit3A, %sign3A_9 : i32
    %sign3A_11 = arith.extui %sign3A_10 : i1 to i32
    %sign3A_12 = arith.subi %sign3A_8, %sign3A_11 : i32
    %ne3A = arith.cmpi ne, %sign3A_5, %sign3A_12 : i32
    %rem3A = arith.remsi %arg0, %jit3A : i32
    %ne3A_13 = arith.constant 0 : i32
    %ne3A_14 = arith.cmpi ne, %rem3A, %ne3A_13 : i32
    %and3A = arith.andi %ne3A, %ne3A_14 : i1
    %sub3A = arith.constant 1 : i32
    %sub3A_15 = arith.subi %div3A, %sub3A : i32
    %select_n3A = arith.select %and3A, %sub3A_15, %div3A : i32
    %jit3A_16 = arith.constant 5 : i32
    %eq3A = arith.constant 0 : i32
    %eq3A_17 = arith.cmpi eq, %jit3A_16, %eq3A : i32
    %jit3A_18 = arith.constant 1 : i32
    %select_n3A_19 = arith.select %eq3A_17, %jit3A_18, %jit3A_16 : i32
    %rem3A_20 = arith.remsi %arg0, %select_n3A_19 : i32
    %ne3A_21 = arith.constant 0 : i32
    %ne3A_22 = arith.cmpi ne, %rem3A_20, %ne3A_21 : i32
    %lt3A = arith.constant 0 : i32
    %lt3A_23 = arith.cmpi slt, %rem3A_20, %lt3A : i32
    %lt3A_24 = arith.constant 0 : i32
    %lt3A_25 = arith.cmpi slt, %select_n3A_19, %lt3A_24 : i32
    %ne3A_26 = arith.xori %lt3A_23, %lt3A_25 : i1
    %and3A_27 = arith.andi %ne3A_26, %ne3A_22 : i1
    %add3A = arith.addi %rem3A_20, %select_n3A_19 : i32
    %select_n3A_28 = arith.select %and3A_27, %add3A, %rem3A_20 : i32
    %c0_i32 = arith.constant 0 : i32
    %c0_i32_29 = arith.constant 0 : i32
    %c0_i32_30 = arith.constant 0 : i32
    return %c0_i32, %select_n3A, %select_n3A_28, %c0_i32_29 : i32, i32, i32, i32
  }
  func.func @transform_1(%arg0: i32) -> (i32, i32, i32) {
    %c0_i32 = arith.constant 0 : i32
    %c0_i32_0 = arith.constant 0 : i32
    %c0_i32_1 = arith.constant 0 : i32
    return %c0_i32, %arg0, %c0_i32_0 : i32, i32, i32
  }
  func.func @transform_2(%arg0: i32) -> (i32, i32) {
    %c0_i32 = arith.constant 0 : i32
    %c0_i32_0 = arith.constant 0 : i32
    return %arg0, %c0_i32 : i32, i32
  }
  func.func @transform_3(%arg0: i32) -> (i32, i32) {
    %c0_i32 = arith.constant 0 : i32
    %c0_i32_0 = arith.constant 0 : i32
    %c0_i32_1 = arith.constant 0 : i32
    return %c0_i32, %c0_i32_0 : i32, i32
  }
  func.func @transform_4(%arg0: i32) -> (i32, i32) {
    %c0_i32 = arith.constant 0 : i32
    %c0_i32_0 = arith.constant 0 : i32
    %c0_i32_1 = arith.constant 0 : i32
    return %c0_i32, %c0_i32_0 : i32, i32
  }
  func.func @transform_5(%arg0: i32) -> (i32, i32, i32) {
    %c0_i32 = arith.constant 0 : i32
    %c0_i32_0 = arith.constant 0 : i32
    %c0_i32_1 = arith.constant 0 : i32
    return %c0_i32, %arg0, %c0_i32_0 : i32, i32, i32
  }
}

module attributes {stable_mosaic.version = 14 : i64} {
  func.func @out_body(%arg0: i32, %arg1: memref<2x1x1000x128xf32, #tpu.memory_space<vmem>>, %arg2: memref<1x1000x128xf32, #tpu.memory_space<vmem>>, %arg3: memref<1000x1xf32, #tpu.memory_space<vmem>>, %arg4: memref<1x40xf32, #tpu.memory_space<vmem>>, %arg5: memref<1000x40xf32, #tpu.memory_space<vmem>>) attributes {dimension_semantics = [#tpu.dimension_semantics<arbitrary>], iteration_bounds = array<i64: 10>, scalar_prefetch = 0 : i64, scratch_operands = 0 : i64, tpu.core_type = #tpu.core_type<tc>, window_params = [{transform_indices = @transform_0, window_bounds = array<i64: 2, 1, 1000, 128>}, {transform_indices = @transform_1, window_bounds = array<i64: 1, 1000, 128>}, {transform_indices = @transform_2, window_bounds = array<i64: 1000, 1>}, {pipeline_mode = #tpu.pipeline_mode<synchronous>, transform_indices = @transform_3, window_bounds = array<i64: 1, 40>}, {transform_indices = @transform_4, window_bounds = array<i64: 1000, 40>}]} {
    %get3A = arith.constant 0 : index
    %get3A_0 = arith.constant 0 : index
    %get3A_1 = vector.load %arg3[%get3A, %get3A_0] : memref<1000x1xf32, #tpu.memory_space<vmem>>, vector<1000x1xf32>
    %ge3A = arith.constant 5 : i32
    %ge3A_2 = arith.cmpi sge, %arg0, %ge3A : i32
    %get3A_3 = arith.constant 0 : index
    %get3A_4 = arith.constant 0 : index
    %get3A_5 = arith.constant 0 : index
    %get3A_6 = arith.constant 0 : index
    %get3A_7 = vector.load %arg1[%get3A_3, %get3A_4, %get3A_5, %get3A_6] : memref<2x1x1000x128xf32, #tpu.memory_space<vmem>>, vector<1x1x1000x128xf32>
    %get3A_8 = vector.shape_cast %get3A_7 : vector<1x1x1000x128xf32> to vector<1000x128xf32>
    %get3A_9 = arith.constant 1 : index
    %get3A_10 = arith.constant 0 : index
    %get3A_11 = arith.constant 0 : index
    %get3A_12 = arith.constant 0 : index
    %get3A_13 = vector.load %arg1[%get3A_9, %get3A_10, %get3A_11, %get3A_12] : memref<2x1x1000x128xf32, #tpu.memory_space<vmem>>, vector<1x1x1000x128xf32>
    %get3A_14 = vector.shape_cast %get3A_13 : vector<1x1x1000x128xf32> to vector<1000x128xf32>
    %add3A = arith.addf %get3A_8, %get3A_14 : vector<1000x128xf32>
    %slice3A = vector.extract_strided_slice %add3A {offsets = [0, 64], sizes = [1000, 40], strides = [1, 1]} : vector<1000x128xf32> to vector<1000x40xf32>
    %slice3A_15 = vector.extract_strided_slice %add3A {offsets = [0, 0], sizes = [1000, 40], strides = [1, 1]} : vector<1000x128xf32> to vector<1000x40xf32>
    %select_n3A = arith.select %ge3A_2, %slice3A, %slice3A_15 : vector<1000x40xf32>
    %get3A_16 = arith.constant 0 : index
    %get3A_17 = arith.constant 0 : index
    %get3A_18 = arith.constant 0 : index
    %get3A_19 = vector.load %arg2[%get3A_16, %get3A_17, %get3A_18] : memref<1x1000x128xf32, #tpu.memory_space<vmem>>, vector<1x1000x128xf32>
    %get3A_20 = vector.shape_cast %get3A_19 : vector<1x1000x128xf32> to vector<1000x128xf32>
    %slice3A_21 = vector.extract_strided_slice %get3A_20 {offsets = [0, 64], sizes = [1000, 40], strides = [1, 1]} : vector<1000x128xf32> to vector<1000x40xf32>
    %get3A_22 = arith.constant 0 : index
    %get3A_23 = arith.constant 0 : index
    %get3A_24 = arith.constant 0 : index
    %get3A_25 = vector.load %arg2[%get3A_22, %get3A_23, %get3A_24] : memref<1x1000x128xf32, #tpu.memory_space<vmem>>, vector<1x1000x128xf32>
    %get3A_26 = vector.shape_cast %get3A_25 : vector<1x1000x128xf32> to vector<1000x128xf32>
    %slice3A_27 = vector.extract_strided_slice %get3A_26 {offsets = [0, 0], sizes = [1000, 40], strides = [1, 1]} : vector<1000x128xf32> to vector<1000x40xf32>
    %select_n3A_28 = arith.select %ge3A_2, %slice3A_21, %slice3A_27 : vector<1000x40xf32>
    %mul3A = arith.constant 2.000000e+00 : f32
    %mul3A_29 = vector.broadcast %mul3A : f32 to vector<1000x40xf32>
    %mul3A_30 = arith.mulf %mul3A_29, %select_n3A_28 : vector<1000x40xf32>
    %add3A_31 = arith.addf %select_n3A, %mul3A_30 : vector<1000x40xf32>
    %mul3A_32 = vector.broadcast %get3A_1 : vector<1000x1xf32> to vector<1000x40xf32>
    %mul3A_33 = arith.mulf %mul3A_32, %add3A_31 : vector<1000x40xf32>
    %get3A_34 = arith.constant 0 : index
    %get3A_35 = arith.constant 0 : index
    %get3A_36 = vector.load %arg4[%get3A_34, %get3A_35] : memref<1x40xf32, #tpu.memory_space<vmem>>, vector<1x40xf32>
    %add3A_37 = vector.broadcast %get3A_36 : vector<1x40xf32> to vector<1000x40xf32>
    %add3A_38 = arith.addf %mul3A_33, %add3A_37 : vector<1000x40xf32>
    %reduce_max3A = arith.constant dense<0xFF800000> : vector<1000xf32>
    %reduce_max3A_39 = vector.multi_reduction <maximumf>, %add3A_38, %reduce_max3A [1] : vector<1000x40xf32> to vector<1000xf32>
    %broadcast_in_dim3A = vector.shape_cast %reduce_max3A_39 : vector<1000xf32> to vector<1000x1xf32>
    %sub3A = vector.broadcast %broadcast_in_dim3A : vector<1000x1xf32> to vector<1000x40xf32>
    %sub3A_40 = arith.subf %add3A_38, %sub3A : vector<1000x40xf32>
    %exp3A = math.exp %sub3A_40 : vector<1000x40xf32>
    %reduce_sum3A = arith.constant dense<0.000000e+00> : vector<1000xf32>
    %reduce_sum3A_41 = vector.multi_reduction <add>, %exp3A, %reduce_sum3A [1] : vector<1000x40xf32> to vector<1000xf32>
    %broadcast_in_dim3A_42 = vector.shape_cast %reduce_sum3A_41 : vector<1000xf32> to vector<1000x1xf32>
    %log3A = math.log %broadcast_in_dim3A_42 : vector<1000x1xf32>
    %sub3A_43 = vector.broadcast %broadcast_in_dim3A : vector<1000x1xf32> to vector<1000x40xf32>
    %sub3A_44 = arith.subf %add3A_38, %sub3A_43 : vector<1000x40xf32>
    %sub3A_45 = vector.broadcast %log3A : vector<1000x1xf32> to vector<1000x40xf32>
    %sub3A_46 = arith.subf %sub3A_44, %sub3A_45 : vector<1000x40xf32>
    %swap3A = arith.constant 0 : index
    %swap3A_47 = arith.constant 0 : index
    %swap3A_48 = vector.load %arg5[%swap3A, %swap3A_47] : memref<1000x40xf32, #tpu.memory_space<vmem>>, vector<1000x40xf32>
    tpu.vector_store %arg5[%swap3A, %swap3A_47], %sub3A_46 {strides = array<i32>} : memref<1000x40xf32, #tpu.memory_space<vmem>>, vector<1000x40xf32>,
    return
  }
  func.func @transform_0(%arg0: i32) -> (i32, i32, i32, i32) {
    %jit3A = arith.constant 5 : i32
    %eq3A = arith.constant 0 : i32
    %eq3A_0 = arith.cmpi eq, %jit3A, %eq3A : i32
    %jit3A_1 = arith.constant 1 : i32
    %select_n3A = arith.select %eq3A_0, %jit3A_1, %jit3A : i32
    %rem3A = arith.remsi %arg0, %select_n3A : i32
    %ne3A = arith.constant 0 : i32
    %ne3A_2 = arith.cmpi ne, %rem3A, %ne3A : i32
    %lt3A = arith.constant 0 : i32
    %lt3A_3 = arith.cmpi slt, %rem3A, %lt3A : i32
    %lt3A_4 = arith.constant 0 : i32
    %lt3A_5 = arith.cmpi slt, %select_n3A, %lt3A_4 : i32
    %ne3A_6 = arith.xori %lt3A_3, %lt3A_5 : i1
    %and3A = arith.andi %ne3A_6, %ne3A_2 : i1
    %add3A = arith.addi %rem3A, %select_n3A : i32
    %select_n3A_7 = arith.select %and3A, %add3A, %rem3A : i32
    %c0_i32 = arith.constant 0 : i32
    %c0_i32_8 = arith.constant 0 : i32
    %c0_i32_9 = arith.constant 0 : i32
    %c0_i32_10 = arith.constant 0 : i32
    return %c0_i32, %c0_i32_8, %select_n3A_7, %c0_i32_9 : i32, i32, i32, i32
  }
  func.func @transform_1(%arg0: i32) -> (i32, i32, i32) {
    %jit3A = arith.constant 5 : i32
    %div3A = arith.divsi %arg0, %jit3A : i32
    %sign3A = arith.constant 0 : i32
    %sign3A_0 = arith.cmpi sgt, %arg0, %sign3A : i32
    %sign3A_1 = arith.extui %sign3A_0 : i1 to i32
    %sign3A_2 = arith.constant 0 : i32
    %sign3A_3 = arith.cmpi slt, %arg0, %sign3A_2 : i32
    %sign3A_4 = arith.extui %sign3A_3 : i1 to i32
    %sign3A_5 = arith.subi %sign3A_1, %sign3A_4 : i32
    %sign3A_6 = arith.constant 0 : i32
    %sign3A_7 = arith.cmpi sgt, %jit3A, %sign3A_6 : i32
    %sign3A_8 = arith.extui %sign3A_7 : i1 to i32
    %sign3A_9 = arith.constant 0 : i32
    %sign3A_10 = arith.cmpi slt, %jit3A, %sign3A_9 : i32
    %sign3A_11 = arith.extui %sign3A_10 : i1 to i32
    %sign3A_12 = arith.subi %sign3A_8, %sign3A_11 : i32
    %ne3A = arith.cmpi ne, %sign3A_5, %sign3A_12 : i32
    %rem3A = arith.remsi %arg0, %jit3A : i32
    %ne3A_13 = arith.constant 0 : i32
    %ne3A_14 = arith.cmpi ne, %rem3A, %ne3A_13 : i32
    %and3A = arith.andi %ne3A, %ne3A_14 : i1
    %sub3A = arith.constant 1 : i32
    %sub3A_15 = arith.subi %div3A, %sub3A : i32
    %select_n3A = arith.select %and3A, %sub3A_15, %div3A : i32
    %c0_i32 = arith.constant 0 : i32
    %c0_i32_16 = arith.constant 0 : i32
    return %select_n3A, %arg0, %c0_i32 : i32, i32, i32
  }
  func.func @transform_2(%arg0: i32) -> (i32, i32) {
    %c0_i32 = arith.constant 0 : i32
    %c0_i32_0 = arith.constant 0 : i32
    return %arg0, %c0_i32 : i32, i32
  }
  func.func @transform_3(%arg0: i32) -> (i32, i32) {
    %c0_i32 = arith.constant 0 : i32
    %c0_i32_0 = arith.constant 0 : i32
    %c0_i32_1 = arith.constant 0 : i32
    return %c0_i32, %c0_i32_0 : i32, i32
  }
  func.func @transform_4(%arg0: i32) -> (i32, i32) {
    %c0_i32 = arith.constant 0 : i32
    %c0_i32_0 = arith.constant 0 : i32
    return %arg0, %c0_i32 : i32, i32
  }
}

</mosaic_0001>

<sc_bundles>
// kernel: kernel.11.cloned.1.call-start
scs
__scs_entry_jumppad:
0x0: {  	(pc) =	sbr.rel $0x88, $3  }
0x1: {  	(tag) =	ssettag $0x0;
	lr =	simm.s32 $0x1  }
0x2: {  	[smem:$0x3F9B] =	sst lr;
	_ =	strace $0xD0000000  }
0x3: {  	_ = 	snop  }
0x4: {  	_ = 	snop  }
0x5: {  	_ = 	snop  }
0x6: {  	_ = 	snop  }
0x7: {  	_ = 	snop  }
__scs_overlays_trampoline_lowered:
0x8: {  	[smem:$0x3FAA] =	sst s0  }
0x9: {  	[smem:$0x3FAB] =	sst s1  }
0xa: {  	[smem:$0x3FAC] =	sst s2  }
0xb: {  	[smem:$0x3FAD] =	sst s3  }
0xc: {  	[smem:$0x3FAE] =	sst s4  }
0xd: {  	[smem:$0x3FAF] =	sst s5  }
0xe: {  	[smem:$0x3FB0] =	sst s6  }
0xf: {  	[smem:$0x3FB1] =	sst s7  }
0x10: {  	[smem:$0x3FB2] =	sst s8  }
0x11: {  	[smem:$0x3FB3] =	sst s9;
	s0 =	simm.s32 @!p0 $0x0  }
0x12: {  	s1 =	sld [smem:$0x3F99];
	s0 =	simm.s32 @p0 $0x1  }
0x13: {  	[smem:$0x3FB4] =	sst s0;
	s0 =	simm.s32 @!p1 $0x0  }
0x14: {  	s2 =	sld [smem:$0x3F98];
	s0 =	simm.s32 @p1 $0x1  }
0x15: {  	[smem:$0x3FB5] =	sst s0;
	s0 =	simm.s32 @!p2 $0x0  }
0x16: {  	s3 =	sld [smem:$0x3FDB];
	s0 =	simm.s32 @p2 $0x1  }
0x17: {  	s4 =	simm.s32 $0x1BF5;
	[smem:$0x3FB7] =	sst s0  }
0x18: {  	s0 =	sld [smem:$0x3F9A];
	_ =	swait.ge [sflag:s4], $0x0  }
0x19: {  	s7 =	sld [smem:$0x3F9B]  }
0x1a: {  	s8 =	sadd.s32 $0xFFFFE003, lr  }
0x1b: {  	s9 =	sadd.s32 $0xFFFFFEF7, lr;
	s5 =	simm.s32 $0xFFFFFFFF;
	p2 =	slt.u32 s8, $0xFFFFF086  }
0x1c: {  	p1 =	slt.u32 s9, $0xF7A;
	s5 =	simm.s32 @!p2 $0x0  }
0x1d: {  	s5 =	simm.s32 @p1 $0x1;
	p0 =	seq.s32 s7, s2  }
0x1e: {  	s7 =	smul.u32 @!p0 $0xF7A, s2;
	p2 =	seq.s32 @!p0 s5, $0x0  }
0x1f: {  	s9 =	smul.u32 $0xF7A, s1;
	s8 =	simm.s32 @!p0 $0x1BF5;
	p2 =	por !p2, p0  }
0x20: {  	[sflag:s8] =	ssyncset.s32 @!p0 $0xFFFFF086;
	s6 =	sadd.s32 @!p0 s3, s7;
	s7 =	simm.s32 @!p0 $0x108  }
0x21: {  	s3 =	sadd.s32 s3, s9;
	s6 =	sadd.s32 @!p0 $0x88, s6;
	s7 =	simm.s32 @p2 $0x1082  }
0x22: {  	[simem:s7], [sflag:s8] =	dma.local @!p0 [hbm:s6], $0xF7A  }
0x23: {  	s9 =	sor.u32 $0xD0000000, s2;
	s6 =	simm.s32 $0x108;
	_ =	swait.ge @!p0 [sflag:s8], $0x0  }
0x24: {  	s3 =	sadd.s32 $0x88, s3;
	s6 =	simm.s32 @!p1 $0x1082;
	[sflag:s4] =	ssyncset.s32 $0xFFFFF086  }
0x25: {  	[simem:s6], [sflag:s4] =	dma.local [hbm:s3], $0xF7A  }
0x26: {  	[smem:$0x3F9B] =	sst s1;
	(tag) =	ssettag s2;
	_ =	strace s9  }
0x27: {  	s1 =	sld [smem:$0x3FAB]  }
0x28: {  	s2 =	sld [smem:$0x3FAC]  }
0x29: {  	s4 =	sld [smem:$0x3FAE]  }
0x2a: {  	p0 =	seq.s32 s5, $0x0;
	s5 =	sld [smem:$0x3FAF]  }
0x2b: {  	s6 =	sld [smem:$0x3FB0]  }
0x2c: {  	s7 =	sld [smem:$0x3FB1]  }
0x2d: {  	s3 =	simm.s32 $0x108;
	s8 =	sld [smem:$0x3FB2]  }
0x2e: {  	s3 =	simm.s32 @!p0 $0x1082;
	s9 =	sld [smem:$0x3FB3]  }
0x2f: {  	lr =	sadd.s32 s0, s3;
	s0 =	sld [smem:$0x3FAA]  }
0x30: {  	s3 =	sld [smem:$0x3FAD]  }
0x31: {  	[smem:$0x3FB6] =	sst s10  }
0x32: {  	s10 =	sld [smem:$0x3FB4];
	_ =	sdelay $0x3  }
0x33: {  	p0 =	seq.s32 s10, $0x1;
	s10 =	sld [smem:$0x3FB6];
	_ =	sdelay $0x3  }
0x34: {  	[smem:$0x3FB6] =	sst s10  }
0x35: {  	s10 =	sld [smem:$0x3FB5];
	_ =	sdelay $0x3  }
0x36: {  	p1 =	seq.s32 s10, $0x1;
	s10 =	sld [smem:$0x3FB6];
	_ =	sdelay $0x3  }
0x37: {  	[smem:$0x3FB6] =	sst s10  }
0x38: {  	s10 =	sld [smem:$0x3FB7]  }
0x39: {  	_ = 	snop;
	(pc) =	sbr.ind lr, $3  }
0x3a: {  	_ = 	snop  }
0x3b: {  	_ = 	snop  }
0x3c: {  	p2 =	seq.s32 s10, $0x1;
	s10 =	sld [smem:$0x3FB6]  }
0x3d: {  	_ =	shalt  }
0x3e: {  	_ =	shalt  }
0x3f: {  	_ =	shalt  }
0x40: {  	_ =	shalt  }
0x41: {  	_ =	shalt  }
0x42: {  	_ =	shalt  }
0x43: {  	_ =	shalt  }
0x44: {  	_ =	shalt  }
0x45: {  	_ =	shalt  }
0x46: {  	_ =	shalt  }
0x47: {  	_ =	shalt  }
0x48: {  	_ =	shalt  }
0x49: {  	_ =	shalt  }
0x4a: {  	_ =	shalt  }
0x4b: {  	_ =	shalt  }
0x4c: {  	_ =	shalt  }
0x4d: {  	_ =	shalt  }
0x4e: {  	_ =	shalt  }
0x4f: {  	_ =	shalt  }
0x50: {  	_ =	shalt  }
0x51: {  	_ =	shalt  }
0x52: {  	_ =	shalt  }
0x53: {  	_ =	shalt  }
0x54: {  	_ =	shalt  }
0x55: {  	_ =	shalt  }
0x56: {  	_ =	shalt  }
0x57: {  	_ =	shalt  }
0x58: {  	_ =	shalt  }
0x59: {  	_ =	shalt  }
0x5a: {  	_ =	shalt  }
0x5b: {  	_ =	shalt  }
0x5c: {  	_ =	shalt  }
0x5d: {  	_ =	shalt  }
0x5e: {  	_ =	shalt  }
0x5f: {  	_ =	shalt  }
0x60: {  	_ =	shalt  }
0x61: {  	_ =	shalt  }
0x62: {  	_ =	shalt  }
0x63: {  	_ =	shalt  }
0x64: {  	_ =	shalt  }
0x65: {  	_ =	shalt  }
0x66: {  	_ =	shalt  }
0x67: {  	_ =	shalt  }
0x68: {  	_ =	shalt  }
0x69: {  	_ =	shalt  }
0x6a: {  	_ =	shalt  }
0x6b: {  	_ =	shalt  }
0x6c: {  	_ =	shalt  }
0x6d: {  	_ =	shalt  }
0x6e: {  	_ =	shalt  }
0x6f: {  	_ =	shalt  }
0x70: {  	_ =	shalt  }
0x71: {  	_ =	shalt  }
0x72: {  	_ =	shalt  }
0x73: {  	_ =	shalt  }
0x74: {  	_ =	shalt  }
0x75: {  	_ =	shalt  }
0x76: {  	_ =	shalt  }
0x77: {  	_ =	shalt  }
0x78: {  	_ =	shalt  }
0x79: {  	_ =	shalt  }
0x7a: {  	_ =	shalt  }
0x7b: {  	_ =	shalt  }
0x7c: {  	_ =	shalt  }
0x7d: {  	_ =	shalt  }
0x7e: {  	_ =	shalt  }
0x7f: {  	_ =	shalt  }
0x80: {  	_ =	shalt  }
0x81: {  	_ =	shalt  }
0x82: {  	_ =	shalt  }
0x83: {  	_ =	shalt  }
0x84: {  	_ =	shalt  }
0x85: {  	_ =	shalt  }
0x86: {  	_ =	shalt  }
0x87: {  	_ =	shalt  }
.Lfunc_end0:
.L_simem_size_0:
called_computation.1_lowered:
.L_overlay_start_0:
0x88: {  	s2 =	sld [smem:$0x3FD9]  }
0x89: {  	s3 =	sld [smem:$0x3FFE];
	_ =	sdelay $0x1  }
0x8a: {  	s1 =	srdreg.scid  }
0x8b: {  	s0 =	sand.u32 $0x1, s1  }
0x8c: {  	s17 =	sshll.u32 s0, $0xA;
	s2 =	sadd.s32 s3, s2  }
0x8d: {  	s2 =	sadd.s32 s2, s17  }
0x8e: {  	[smem:$0x3FC2] =	sst s2  }
0x8f: {  	_ = 	snop  }
0x90: {  	s2 =	sld [smem:$0x3FD0];
	(tm) =	ssettm $0x1  }
0x91: {  	s18 =	sld [smem:$0x3FFB];
	_ =	sdelay $0x3  }
0x92: {  	_ =	strace s18  }
0x93: {  	s3 =	sld [smem:$0x3FFC];
	_ =	sdelay $0x3  }
0x94: {  	_ =	strace s3  }
0x95: {  	s3 =	sld [smem:$0x3FFD];
	_ =	sdelay $0x3  }
0x96: {  	_ =	strace s3  }
0x97: {  	_ =	strace $0x8FFFFFFF  }
0x98: {  	s19 =	sld [smem:$0x3FDB];
	_ =	sdelay $0x1  }
0x99: {  	s4 =	simm.s32 $_scs_section_size  }
0x9a: {  	s5 =	simm.s32 $_size__tile_overlayer_lowered;
	s6 =	simm.s32 $_tile_overlayer_lowered  }
0x9b: {  	s22 =	simm.s32 $0x1BFF;
	s21 =	sshll.u32 s6, $0x1;
	s3 =	sadd.s32 s4, s19  }
0x9c: {  	s7 =	simm.s32 $0x0;
	s20 =	sshll.u32 s5, $0x1;
	s5 =	sadd.s32 s21, s3  }
0x9d: {  	[timem:s7], [sflag:s22] =	dma.local [hbm:s5], s20  }
0x9e: {  	_ =	swait.ge [sflag:s22], s20  }
0x9f: {  	s4 =	ssub.s32 $0x0, s20;
	[sflag:s22] =	ssyncset.done $0x0  }
0xa0: {  	[sflag:s22] =	ssyncadd.s32 s4;
	_ =	sdelay $0x1  }
0xa1: {  	s23 =	simm.s32 $0x1B8B  }
0xa2: {  	_ =	swait.ge [sflag:s23], $0x1  }
0xa3: {  	[sflag:s23] =	ssyncset.done $0x0  }
0xa4: {  	s25 =	simm.s32 $0x1B8E;
	s24 =	sld [smem:$0x3FFE];
	[sflag:s23] =	ssyncadd.s32 $0xFFFFFFFF  }
0xa5: {  	s26 =	simm.s32 $execute0_lowered;
	[smem:$0x3FD2] =	sst s25  }
0xa6: {  	s5 =	sshll.u32 s26, $0x1;
	_ =	strace $0x80000049;
	[dreg:$0x1] =	wrdreg $0xFFFFFFFF  }
0xa7: {  	s28 =	simm.s32 $_size_execute0_lowered;
	s3 =	sadd.s32 s3, s5;
	[dreg:$0x0] =	wrdreg $0x0  }
0xa8: {  	s5 =	sshll.u32 s28, $0x1;
	[dreg:$0x2] =	wrdreg s3  }
0xa9: {  	[dreg:$0x3] =	wrdreg s5  }
0xaa: {  	[dreg:$0x4] =	wrdreg $0xC0  }
0xab: {  	_ =	task [dreg:s7], $0x5FFFF  }
0xac: {  	[dreg:$0x1] =	wrdreg $0xFFFFFFFF  }
0xad: {  	[dreg:$0x0] =	wrdreg $0x60  }
0xae: {  	[dreg:$0x2] =	wrdreg s24  }
0xaf: {  	[dreg:$0x3] =	wrdreg s2  }
0xb0: {  	[dreg:$0x4] =	wrdreg $0xD0000  }
0xb1: {  	[dreg:$0x5] =	wrdreg $0x9  }
0xb2: {  	_ =	task.clear_ibuf [dreg:s7], $0x6FFFF;
	_ =	strace $0x90000049  }
0xb3: {  	s29 =	simm.s32 $0x9;
	_ =	strace $0x8000004B  }
0xb4: {  	_ =	swait.ge [sflag:s29], $0x1  }
0xb5: {  	[sflag:s29] =	ssyncadd.s32 $0xFFFFFFFF  }
0xb6: {  	_ =	strace $0x9000004B  }
0xb7: {  	_ =	sfence  }
0xb8: {  	s30 =	sld [smem:$0x0];
	_ =	sdelay $0x2  }
0xb9: {  	s31 =	sshll.u32 s1, $0xD;
	s1 =	sshrl.u32 s1, $0x2  }
0xba: {  	s3 =	sand.u32 $0x4000, s31;
	s1 =	sadd.s32 s1, s30  }
0xbb: {  	s0 =	sor.u32 s3, s0;
	s1 =	sshll.u32 s1, $0x11  }
0xbc: {  	s0 =	sor.u32 s1, s0  }
0xbd: {  	s0 =	sadd.s32 $0x8F2B, s0  }
0xbe: {  	[sflag:s0] =	ssyncadd.remote.s32 $0x1  }
0xbf: {  	_ =	sfence.sel $0xFFFF  }
0xc0: {  	[dreg:$0x0] =	wrdreg $0xFFFFFFFF;
	(pc) =	sbr.abs _section_cstart, $3  }
0xc1: {  	[dreg:$0x1] =	wrdreg $0xFFFFFFFF  }
0xc2: {  	_ =	task.clear_ibuf [dreg:s7], $0x2FFFF;
	_ =	strace $0x9FFFFFFF  }
0xc3: {  	(tm) =	ssettm $0x7FFFFFFF  }
tec
execute0_lowered:
.L_overlay_start_1:
0x0: {  	(tag) =	ssettag $0x1  }
0x1: {  	s5 =	rddreg [dreg:$0x0]  }
0x2: {  	s6 =	rddreg [dreg:$0x1]  }
0x3: {  	s2 =	rddreg [dreg:$0x2]  }
0x4: {  	s0 =	srdreg.scid;
	s1 =	rddreg [dreg:$0x3]  }
0x5: {  	s3 =	simm.s32 $0x0;
	s16 =	simm.s32 $0x80;
	s17 =	simm.s32 $0x5000  }
0x6: {  	s18 =	simm.s32 $0x9000;
	s19 =	simm.s32 $0x1;
	s7 =	sand.u32 $0x1, s0  }
0x7: {  	s20 =	simm.s32 $0x2;
	s0 =	stileid.u32;
	s4 =	smul.u32 $0x28000, s7  }
0x8: {  	s21 =	simm.s32 $0x2780;
	s22 =	simm.s32 $0x4F00;
	s8 =	smul.u32 $0x2800, s0  }
0x9: {  	s23 =	simm.s32 $0x4F80;
	[smem:$0x7FF] =	sst s3;
	s9 =	smul.u32 $0xA000, s0  }
0xa: {  	s24 =	simm.s32 $0x0;
	s10 =	smul.u32 $0x140000, s7;
	_ =	strace $0x8000004A  }
0xb: {  	s7 =	ssub.s32 $0x2, s7;
	s28 =	smul.u32 $0x28000, s0;
	s31 =	sshll.u32 s0, $0x6  }
0xc: {  	s29 =	sshrl.u32 s7, $0x1;
	s8 =	sadd.s32 s8, s4;
	s4 =	sadd.s32 $0x10800, s5  }
0xd: {  	s12 =	sshrl.u32 s9, $0x3;
	s9 =	sadd.s32 s9, s10;
	s14 =	ssub.s32 s7, s29  }
0xe: {  	s30 =	sshrl.u32 s28, $0x2;
	s8 =	sshrl.u32 s8, $0x3;
	s9 =	sshrl.u32 s9, $0x3  }
0xf: {  	s12 =	sadd.s32 s12, s5;
	s15 =	sadd.s32 s30, s2;
	s11 =	sadd.s32 s8, s5  }
0x10: {  	s13 =	sadd.s32 s9, s5;
	s5 =	sadd.s32 s6, s8;
	s7 =	sadd.s32 $0x72A00, s12  }
0x11: {  	s12 =	simm.s32 $0x3;
	s15 =	sshrl.u32 s15, $0x3;
	s6 =	sadd.s32 $0x5EA00, s11  }
0x12: {  	s8 =	sadd.s32 $0x86A00, s13;
	s9 =	sadd.s32 $0x68A00, s11;
	s10 =	sadd.s32 $0x9AA00, s13  }
0x13: {  	s11 =	smax.u32 s14, $0x1;
	s13 =	simm.s32 $0x2800;
	s14 =	sor.u32 $0x1C03, s31  }
.LBB2_1:
0x14: {  	[tilespmem:s3], [sflag:$0x3] =	stream.linear.gather [hbm4b:s5+s3], $0x2800, $0x38;
	[tilespmem:$0x17000] =	vst v63  }
0x15: {  	_ =	swait.ge [sflag:s12], $0x2800  }
0x16: {  	[sflag:s12] =	ssyncset.done $0x0  }
0x17: {  	[sflag:s12] =	ssyncadd.s32 $0xFFFFD800  }
0x18: {  	[tilespmem:s13], [sflag:$0x3] =	stream.linear.gather [hbm4b:s6+s3], $0x2800, $0x38;
	[tilespmem:$0x17000] =	vst v63  }
0x19: {  	_ =	swait.ge [sflag:s12], $0x2800  }
0x1a: {  	[sflag:s12] =	ssyncset.done $0x0  }
0x1b: {  	[sflag:s12] =	ssyncadd.s32 $0xFFFFD800  }
0x1c: {  	[spmem:s15], [sflag:s14] =	dma.local [hbm:s7], $0x1400  }
0x1d: {  	_ =	swait.ge [sflag:s12], $0x1400  }
0x1e: {  	[sflag:s12] =	ssyncset.done $0x0  }
0x1f: {  	[sflag:s12] =	ssyncadd.s32 $0xFFFFEC00  }
0x20: {  	[bflag:$0x0] =	sbarrier.arrive $0xFFFF  }
0x21: {  	[tilespmem:s17], [sflag:$0x1] =	stream.indirect.gather [hbm4b:s4+s16], $0x80, s3, s16, $0xb8;
	[tilespmem:$0x17000] =	vst v63  }
0x22: {  	s25 =	simm.s32 $0x80  }
0x23: {  	[tilespmem:s18], [sflag:$0x2] =	stream.indirect.gather [hbm4b:s4+s16], $0x80, s25, s16, $0xb8;
	[tilespmem:$0x17000] =	vst v63  }
0x24: {  	_ =	swait.ge [sflag:s19], $0x4000  }
0x25: {  	[sflag:s19] =	ssyncset.done $0x0  }
0x26: {  	s29 =	simm.s32 $0x2800;
	[sflag:s19] =	ssyncadd.s32 $0xFFFFC000  }
0x27: {  	[spmem:s2] =	stream.indirect.scatter.add.f32 [tilespmem:s17], [sflag:$0x3], $0x80, s29, s16, $0xb8;
	[tilespmem:$0x17000] =	vst v63  }
0x28: {  	_ =	swait.ge [sflag:s12], $0x4000  }
0x29: {  	[sflag:s12] =	ssyncset.done $0x0  }
0x2a: {  	s30 =	simm.s32 $0x100;
	[sflag:s12] =	ssyncadd.s32 $0xFFFFC000  }
0x2b: {  	[tilespmem:s17], [sflag:$0x1] =	stream.indirect.gather [hbm4b:s4+s16], $0x80, s30, s16, $0xb8;
	[tilespmem:$0x17000] =	vst v63  }
0x2c: {  	_ =	swait.ge [sflag:s20], $0x4000  }
0x2d: {  	[sflag:s20] =	ssyncset.done $0x0  }
0x2e: {  	s31 =	simm.s32 $0x2880;
	[sflag:s20] =	ssyncadd.s32 $0xFFFFC000  }
0x2f: {  	[spmem:s2] =	stream.indirect.scatter.add.f32 [tilespmem:s18], [sflag:$0x3], $0x80, s31, s16, $0xb8;
	[tilespmem:$0x17000] =	vst v63  }
0x30: {  	_ =	swait.ge [sflag:s12], $0x4000  }
0x31: {  	s26 =	simm.s32 $0x800;
	s25 =	simm.s32 $0x100;
	[sflag:s12] =	ssyncset.done $0x0  }
.LBB2_2:
0x32: {  	s28 =	sadd.s32 $0x80, s25  }
0x33: {  	[sflag:s12] =	ssyncadd.s32 $0xFFFFC000;
	s29 =	smov.u32 s26;
	s30 =	sadd.s32 $0x400, s26  }
0x34: {  	[tilespmem:s18], [sflag:$0x2] =	stream.indirect.gather [hbm4b:s4+s16], $0x80, s28, s16, $0xb8;
	[tilespmem:$0x17000] =	vst v63  }
0x35: {  	p0 =	sne.s32 s26, $0x9800;
	_ =	swait.ge [sflag:s19], $0x4000  }
0x36: {  	[sflag:s19] =	ssyncset.done $0x0  }
0x37: {  	s26 =	sadd.s32 $0x2800, s25;
	[sflag:s19] =	ssyncadd.s32 $0xFFFFC000  }
0x38: {  	[spmem:s2] =	stream.indirect.scatter.add.f32 [tilespmem:s17], [sflag:$0x3], $0x80, s26, s16, $0xb8;
	[tilespmem:$0x17000] =	vst v63  }
0x39: {  	_ =	swait.ge [sflag:s12], $0x4000  }
0x3a: {  	[sflag:s12] =	ssyncset.done $0x0  }
0x3b: {  	s26 =	sadd.s32 $0x100, s25;
	[sflag:s12] =	ssyncadd.s32 $0xFFFFC000  }
0x3c: {  	[tilespmem:s17], [sflag:$0x1] =	stream.indirect.gather [hbm4b:s4+s16], $0x80, s26, s16, $0xb8;
	[tilespmem:$0x17000] =	vst v63  }
0x3d: {  	_ =	swait.ge [sflag:s20], $0x4000  }
.Ltmp0:
0x3e: {  	[sflag:s20] =	ssyncset.done $0x0;
	(pc) =	sbr.rel @p0 .LBB2_2-.Ltmp0, $4  }
0x3f: {  	s25 =	sadd.s32 $0x2880, s25;
	[sflag:s20] =	ssyncadd.s32 $0xFFFFC000  }
0x40: {  	[spmem:s2] =	stream.indirect.scatter.add.f32 [tilespmem:s18], [sflag:$0x3], $0x80, s25, s16, $0xb8;
	[tilespmem:$0x17000] =	vst v63  }
0x41: {  	_ =	swait.ge [sflag:s12], $0x4000  }
0x42: {  	s26 =	smov.u32 s30;
	s25 =	sshra.s32 s29, $0x2;
	[sflag:s12] =	ssyncset.done $0x0  }
0x43: {  	s26 =	sadd.s32 $0x80, s25;
	[sflag:s12] =	ssyncadd.s32 $0xFFFFC000  }
0x44: {  	[tilespmem:s18], [sflag:$0x2] =	stream.indirect.gather [hbm4b:s4+s16], $0x80, s26, s16, $0xb8;
	[tilespmem:$0x17000] =	vst v63  }
0x45: {  	_ =	swait.ge [sflag:s19], $0x4000  }
0x46: {  	[sflag:s19] =	ssyncset.done $0x0  }
0x47: {  	s29 =	sadd.s32 $0x2800, s25;
	[sflag:s19] =	ssyncadd.s32 $0xFFFFC000  }
0x48: {  	[spmem:s2] =	stream.indirect.scatter.add.f32 [tilespmem:s17], [sflag:$0x3], $0x80, s29, s16, $0xb8;
	[tilespmem:$0x17000] =	vst v63  }
0x49: {  	_ =	swait.ge [sflag:s12], $0x4000  }
0x4a: {  	[sflag:s12] =	ssyncset.done $0x0  }
0x4b: {  	s30 =	sadd.s32 $0x100, s25;
	[sflag:s12] =	ssyncadd.s32 $0xFFFFC000  }
0x4c: {  	[tilespmem:s17], [sflag:$0x1] =	stream.indirect.gather [hbm4b:s4+s16], $0x80, s30, s16, $0xb8;
	[tilespmem:$0x17000] =	vst v63  }
0x4d: {  	_ =	swait.ge [sflag:s20], $0x4000  }
0x4e: {  	[sflag:s20] =	ssyncset.done $0x0  }
0x4f: {  	s31 =	sadd.s32 $0x2880, s25;
	[sflag:s20] =	ssyncadd.s32 $0xFFFFC000  }
0x50: {  	[spmem:s2] =	stream.indirect.scatter.add.f32 [tilespmem:s18], [sflag:$0x3], $0x80, s31, s16, $0xb8;
	[tilespmem:$0x17000] =	vst v63  }
0x51: {  	_ =	swait.ge [sflag:s12], $0x4000  }
0x52: {  	[sflag:s12] =	ssyncset.done $0x0  }
0x53: {  	[sflag:s12] =	ssyncadd.s32 $0xFFFFC000  }
0x54: {  	[tilespmem:s18], [sflag:$0x2] =	stream.indirect.gather [hbm4b:s4+s16], $0x80, s21, s16, $0xb8;
	[tilespmem:$0x17000] =	vst v63  }
0x55: {  	_ =	swait.ge [sflag:s19], $0x4000  }
0x56: {  	[sflag:s19] =	ssyncset.done $0x0  }
0x57: {  	[sflag:s19] =	ssyncadd.s32 $0xFFFFC000  }
0x58: {  	[spmem:s2] =	stream.indirect.scatter.add.f32 [tilespmem:s17], [sflag:$0x3], $0x80, s22, s16, $0xb8;
	[tilespmem:$0x17000] =	vst v63  }
0x59: {  	_ =	swait.ge [sflag:s12], $0x4000  }
0x5a: {  	[sflag:s12] =	ssyncset.done $0x0  }
0x5b: {  	[sflag:s12] =	ssyncadd.s32 $0xFFFFC000  }
0x5c: {  	_ =	swait.ge [sflag:s20], $0x4000  }
0x5d: {  	[sflag:s20] =	ssyncset.done $0x0  }
0x5e: {  	[sflag:s20] =	ssyncadd.s32 $0xFFFFC000  }
0x5f: {  	[spmem:s2] =	stream.indirect.scatter.add.f32 [tilespmem:s18], [sflag:$0x3], $0x80, s23, s16, $0xb8;
	[tilespmem:$0x17000] =	vst v63  }
0x60: {  	_ =	swait.ge [sflag:s12], $0x4000  }
0x61: {  	[sflag:s12] =	ssyncset.done $0x0  }
0x62: {  	[sflag:s12] =	ssyncadd.s32 $0xFFFFC000  }
0x63: {  	[bflag:$0x0] =	sbarrier.arrive $0xFFFF  }
0x64: {  	[hbm:s8], [sflag:s14] =	dma.local [spmem:s15], $0x1400  }
0x65: {  	_ =	swait.ge [sflag:s12], $0x1400  }
0x66: {  	[sflag:s12] =	ssyncset.done $0x0  }
0x67: {  	s26 =	simm.s32 $0x0;
	[sflag:s12] =	ssyncadd.s32 $0xFFFFEC00  }
0x68: {  	[tilespmem:s13], [sflag:$0x3] =	stream.linear.gather [hbm4b:s9+s26], $0x2800, $0x38;
	[tilespmem:$0x17000] =	vst v63  }
0x69: {  	_ =	swait.ge [sflag:s12], $0x2800  }
0x6a: {  	[sflag:s12] =	ssyncset.done $0x0  }
0x6b: {  	[sflag:s12] =	ssyncadd.s32 $0xFFFFD800  }
0x6c: {  	[spmem:s15], [sflag:s14] =	dma.local [hbm:s7], $0x1400  }
0x6d: {  	_ =	swait.ge [sflag:s12], $0x1400  }
0x6e: {  	[sflag:s12] =	ssyncset.done $0x0  }
0x6f: {  	[sflag:s12] =	ssyncadd.s32 $0xFFFFEC00  }
0x70: {  	[bflag:$0x0] =	sbarrier.arrive $0xFFFF  }
0x71: {  	[tilespmem:s17], [sflag:$0x1] =	stream.indirect.gather [hbm4b:s4+s16], $0x80, s26, s16, $0xb8;
	[tilespmem:$0x17000] =	vst v63  }
0x72: {  	s28 =	simm.s32 $0x80  }
0x73: {  	[tilespmem:s18], [sflag:$0x2] =	stream.indirect.gather [hbm4b:s4+s16], $0x80, s28, s16, $0xb8;
	[tilespmem:$0x17000] =	vst v63  }
0x74: {  	_ =	swait.ge [sflag:s19], $0x4000  }
0x75: {  	[sflag:s19] =	ssyncset.done $0x0  }
0x76: {  	s29 =	simm.s32 $0x2800;
	[sflag:s19] =	ssyncadd.s32 $0xFFFFC000  }
0x77: {  	[spmem:s2] =	stream.indirect.scatter.add.f32 [tilespmem:s17], [sflag:$0x3], $0x80, s29, s16, $0xb8;
	[tilespmem:$0x17000] =	vst v63  }
0x78: {  	_ =	swait.ge [sflag:s12], $0x4000  }
0x79: {  	[sflag:s12] =	ssyncset.done $0x0  }
0x7a: {  	s30 =	simm.s32 $0x100;
	[sflag:s12] =	ssyncadd.s32 $0xFFFFC000  }
0x7b: {  	[tilespmem:s17], [sflag:$0x1] =	stream.indirect.gather [hbm4b:s4+s16], $0x80, s30, s16, $0xb8;
	[tilespmem:$0x17000] =	vst v63  }
0x7c: {  	_ =	swait.ge [sflag:s20], $0x4000  }
0x7d: {  	[sflag:s20] =	ssyncset.done $0x0  }
0x7e: {  	s31 =	simm.s32 $0x2880;
	[sflag:s20] =	ssyncadd.s32 $0xFFFFC000  }
0x7f: {  	[spmem:s2] =	stream.indirect.scatter.add.f32 [tilespmem:s18], [sflag:$0x3], $0x80, s31, s16, $0xb8;
	[tilespmem:$0x17000] =	vst v63  }
0x80: {  	_ =	swait.ge [sflag:s12], $0x4000  }
0x81: {  	s25 =	simm.s32 $0x100;
	s26 =	simm.s32 $0x800;
	[sflag:s12] =	ssyncset.done $0x0  }
.LBB2_4:
0x82: {  	s28 =	sadd.s32 $0x80, s25  }
0x83: {  	[sflag:s12] =	ssyncadd.s32 $0xFFFFC000;
	s29 =	smov.u32 s26;
	s30 =	sadd.s32 $0x400, s26  }
0x84: {  	[tilespmem:s18], [sflag:$0x2] =	stream.indirect.gather [hbm4b:s4+s16], $0x80, s28, s16, $0xb8;
	[tilespmem:$0x17000] =	vst v63  }
0x85: {  	p0 =	sne.s32 s26, $0x9800;
	_ =	swait.ge [sflag:s19], $0x4000  }
0x86: {  	[sflag:s19] =	ssyncset.done $0x0  }
0x87: {  	s26 =	sadd.s32 $0x2800, s25;
	[sflag:s19] =	ssyncadd.s32 $0xFFFFC000  }
0x88: {  	[spmem:s2] =	stream.indirect.scatter.add.f32 [tilespmem:s17], [sflag:$0x3], $0x80, s26, s16, $0xb8;
	[tilespmem:$0x17000] =	vst v63  }
0x89: {  	_ =	swait.ge [sflag:s12], $0x4000  }
0x8a: {  	[sflag:s12] =	ssyncset.done $0x0  }
0x8b: {  	s26 =	sadd.s32 $0x100, s25;
	[sflag:s12] =	ssyncadd.s32 $0xFFFFC000  }
0x8c: {  	[tilespmem:s17], [sflag:$0x1] =	stream.indirect.gather [hbm4b:s4+s16], $0x80, s26, s16, $0xb8;
	[tilespmem:$0x17000] =	vst v63  }
0x8d: {  	_ =	swait.ge [sflag:s20], $0x4000  }
.Ltmp1:
0x8e: {  	[sflag:s20] =	ssyncset.done $0x0;
	(pc) =	sbr.rel @p0 .LBB2_4-.Ltmp1, $4  }
0x8f: {  	s25 =	sadd.s32 $0x2880, s25;
	[sflag:s20] =	ssyncadd.s32 $0xFFFFC000  }
0x90: {  	[spmem:s2] =	stream.indirect.scatter.add.f32 [tilespmem:s18], [sflag:$0x3], $0x80, s25, s16, $0xb8;
	[tilespmem:$0x17000] =	vst v63  }
0x91: {  	_ =	swait.ge [sflag:s12], $0x4000  }
0x92: {  	s26 =	smov.u32 s30;
	s25 =	sshra.s32 s29, $0x2;
	[sflag:s12] =	ssyncset.done $0x0  }
0x93: {  	s26 =	sadd.s32 $0x80, s25;
	[sflag:s12] =	ssyncadd.s32 $0xFFFFC000  }
0x94: {  	[tilespmem:s18], [sflag:$0x2] =	stream.indirect.gather [hbm4b:s4+s16], $0x80, s26, s16, $0xb8;
	[tilespmem:$0x17000] =	vst v63  }
0x95: {  	_ =	swait.ge [sflag:s19], $0x4000  }
0x96: {  	[sflag:s19] =	ssyncset.done $0x0  }
0x97: {  	s29 =	sadd.s32 $0x2800, s25;
	[sflag:s19] =	ssyncadd.s32 $0xFFFFC000  }
0x98: {  	[spmem:s2] =	stream.indirect.scatter.add.f32 [tilespmem:s17], [sflag:$0x3], $0x80, s29, s16, $0xb8;
	[tilespmem:$0x17000] =	vst v63  }
0x99: {  	_ =	swait.ge [sflag:s12], $0x4000  }
0x9a: {  	[sflag:s12] =	ssyncset.done $0x0  }
0x9b: {  	s30 =	sadd.s32 $0x100, s25;
	[sflag:s12] =	ssyncadd.s32 $0xFFFFC000  }
0x9c: {  	[tilespmem:s17], [sflag:$0x1] =	stream.indirect.gather [hbm4b:s4+s16], $0x80, s30, s16, $0xb8;
	[tilespmem:$0x17000] =	vst v63  }
0x9d: {  	_ =	swait.ge [sflag:s20], $0x4000  }
0x9e: {  	[sflag:s20] =	ssyncset.done $0x0  }
0x9f: {  	s31 =	sadd.s32 $0x2880, s25;
	[sflag:s20] =	ssyncadd.s32 $0xFFFFC000  }
0xa0: {  	[spmem:s2] =	stream.indirect.scatter.add.f32 [tilespmem:s18], [sflag:$0x3], $0x80, s31, s16, $0xb8;
	[tilespmem:$0x17000] =	vst v63  }
0xa1: {  	_ =	swait.ge [sflag:s12], $0x4000  }
0xa2: {  	[sflag:s12] =	ssyncset.done $0x0  }
0xa3: {  	[sflag:s12] =	ssyncadd.s32 $0xFFFFC000  }
0xa4: {  	[tilespmem:s18], [sflag:$0x2] =	stream.indirect.gather [hbm4b:s4+s16], $0x80, s21, s16, $0xb8;
	[tilespmem:$0x17000] =	vst v63  }
0xa5: {  	_ =	swait.ge [sflag:s19], $0x4000  }
0xa6: {  	[sflag:s19] =	ssyncset.done $0x0  }
0xa7: {  	[sflag:s19] =	ssyncadd.s32 $0xFFFFC000  }
0xa8: {  	[spmem:s2] =	stream.indirect.scatter.add.f32 [tilespmem:s17], [sflag:$0x3], $0x80, s22, s16, $0xb8;
	[tilespmem:$0x17000] =	vst v63  }
0xa9: {  	_ =	swait.ge [sflag:s12], $0x4000  }
0xaa: {  	[sflag:s12] =	ssyncset.done $0x0  }
0xab: {  	[sflag:s12] =	ssyncadd.s32 $0xFFFFC000  }
0xac: {  	_ =	swait.ge [sflag:s20], $0x4000  }
0xad: {  	[sflag:s20] =	ssyncset.done $0x0  }
0xae: {  	[sflag:s20] =	ssyncadd.s32 $0xFFFFC000  }
0xaf: {  	[spmem:s2] =	stream.indirect.scatter.add.f32 [tilespmem:s18], [sflag:$0x3], $0x80, s23, s16, $0xb8;
	[tilespmem:$0x17000] =	vst v63  }
0xb0: {  	_ =	swait.ge [sflag:s12], $0x4000  }
0xb1: {  	s24 =	sadd.s32 $0x1, s24;
	[sflag:s12] =	ssyncset.done $0x0  }
0xb2: {  	p0 =	sne.s32 s24, s11;
	[sflag:s12] =	ssyncadd.s32 $0xFFFFC000  }
.Ltmp2:
0xb3: {  	[bflag:$0x0] =	sbarrier.arrive $0xFFFF;
	(pc) =	sbr.rel @p0 .LBB2_1-.Ltmp2, $4  }
0xb4: {  	[hbm:s10], [sflag:s14] =	dma.local [spmem:s15], $0x1400  }
0xb5: {  	_ =	swait.ge [sflag:s12], $0x1400  }
0xb6: {  	[sflag:s12] =	ssyncset.done $0x0  }
0xb7: {  	[sflag:s12] =	ssyncadd.s32 $0xFFFFEC00  }
0xb8: {  	_ =	sfence.sel $0x180000  }
0xb9: {  	[bflag:$0x0] =	sbarrier.arrive $0xFFFF  }
0xba: {  	p0 =	sne.s32 s0, $0x0;
	_ =	strace $0x9000004A  }
0xbb: {  	s0 =	sadd.s32 @!p0 $0x100000, s1;
	[bflag:$0x2] =	sbarrier.arrive $0xFFFF  }
0xbc: {  	[sflag:s0] =	ssyncadd.tile.s32 @!p0 $0x1;
	_ =	shalt  }
.Lfunc_end2:
_tile_overlayer_lowered:
.L_overlay_start_2:
0xbd: {  	(tag) =	ssettag $0x2  }
0xbe: {  	s0 =	rddreg [dreg:$0x0];
	s2 =	stileid.u32  }
0xbf: {  	s1 =	rddreg [dreg:$0x1];
	p0 =	sne.s32 s2, $0x0  }
0xc0: {  	s3 =	rddreg [dreg:$0x2];
	[bflag:$0x3] =	sbarrier.arrive $0xFFFF;
	s2 =	simm.s32 @!p0 $0x1C03  }
0xc1: {  	[timem:s3], [sflag:s2] =	dma.local @!p0 [hbm:s0], s1  }
0xc2: {  	s0 =	simm.s32 @!p0 $0x3  }
0xc3: {  	_ =	swait.ge @!p0 [sflag:s0], s1  }
0xc4: {  	s1 =	ssub.s32 @!p0 $0x0, s1;
	[sflag:s0] =	ssyncset.done @!p0 $0x0  }
0xc5: {  	[sflag:s0] =	ssyncadd.s32 @!p0 s1  }
0xc6: {  	[bflag:$0x3] =	sbarrier.arrive $0xFFFF  }
0xc7: {  	_ =	shalt  }

// kernel: kernel.14.cloned.1.call-start
scs
__scs_entry_jumppad:
0x0: {  	(pc) =	sbr.rel $0x88, $3  }
0x1: {  	(tag) =	ssettag $0x0;
	lr =	simm.s32 $0x1  }
0x2: {  	[smem:$0x3F9B] =	sst lr;
	_ =	strace $0xD0000000  }
0x3: {  	_ = 	snop  }
0x4: {  	_ = 	snop  }
0x5: {  	_ = 	snop  }
0x6: {  	_ = 	snop  }
0x7: {  	_ = 	snop  }
__scs_overlays_trampoline_lowered:
0x8: {  	[smem:$0x3FAA] =	sst s0  }
0x9: {  	[smem:$0x3FAB] =	sst s1  }
0xa: {  	[smem:$0x3FAC] =	sst s2  }
0xb: {  	[smem:$0x3FAD] =	sst s3  }
0xc: {  	[smem:$0x3FAE] =	sst s4  }
0xd: {  	[smem:$0x3FAF] =	sst s5  }
0xe: {  	[smem:$0x3FB0] =	sst s6  }
0xf: {  	[smem:$0x3FB1] =	sst s7  }
0x10: {  	[smem:$0x3FB2] =	sst s8  }
0x11: {  	[smem:$0x3FB3] =	sst s9;
	s0 =	simm.s32 @!p0 $0x0  }
0x12: {  	s1 =	sld [smem:$0x3F99];
	s0 =	simm.s32 @p0 $0x1  }
0x13: {  	[smem:$0x3FB4] =	sst s0;
	s0 =	simm.s32 @!p1 $0x0  }
0x14: {  	s2 =	sld [smem:$0x3F98];
	s0 =	simm.s32 @p1 $0x1  }
0x15: {  	[smem:$0x3FB5] =	sst s0;
	s0 =	simm.s32 @!p2 $0x0  }
0x16: {  	s3 =	sld [smem:$0x3FDB];
	s0 =	simm.s32 @p2 $0x1  }
0x17: {  	s4 =	simm.s32 $0x1BF5;
	[smem:$0x3FB7] =	sst s0  }
0x18: {  	s0 =	sld [smem:$0x3F9A];
	_ =	swait.ge [sflag:s4], $0x0  }
0x19: {  	s7 =	sld [smem:$0x3F9B]  }
0x1a: {  	s8 =	sadd.s32 $0xFFFFE003, lr  }
0x1b: {  	s9 =	sadd.s32 $0xFFFFFEF7, lr;
	s5 =	simm.s32 $0xFFFFFFFF;
	p2 =	slt.u32 s8, $0xFFFFF086  }
0x1c: {  	p1 =	slt.u32 s9, $0xF7A;
	s5 =	simm.s32 @!p2 $0x0  }
0x1d: {  	s5 =	simm.s32 @p1 $0x1;
	p0 =	seq.s32 s7, s2  }
0x1e: {  	s7 =	smul.u32 @!p0 $0xF7A, s2;
	p2 =	seq.s32 @!p0 s5, $0x0  }
0x1f: {  	s9 =	smul.u32 $0xF7A, s1;
	s8 =	simm.s32 @!p0 $0x1BF5;
	p2 =	por !p2, p0  }
0x20: {  	[sflag:s8] =	ssyncset.s32 @!p0 $0xFFFFF086;
	s6 =	sadd.s32 @!p0 s3, s7;
	s7 =	simm.s32 @!p0 $0x108  }
0x21: {  	s3 =	sadd.s32 s3, s9;
	s6 =	sadd.s32 @!p0 $0x88, s6;
	s7 =	simm.s32 @p2 $0x1082  }
0x22: {  	[simem:s7], [sflag:s8] =	dma.local @!p0 [hbm:s6], $0xF7A  }
0x23: {  	s9 =	sor.u32 $0xD0000000, s2;
	s6 =	simm.s32 $0x108;
	_ =	swait.ge @!p0 [sflag:s8], $0x0  }
0x24: {  	s3 =	sadd.s32 $0x88, s3;
	s6 =	simm.s32 @!p1 $0x1082;
	[sflag:s4] =	ssyncset.s32 $0xFFFFF086  }
0x25: {  	[simem:s6], [sflag:s4] =	dma.local [hbm:s3], $0xF7A  }
0x26: {  	[smem:$0x3F9B] =	sst s1;
	(tag) =	ssettag s2;
	_ =	strace s9  }
0x27: {  	s1 =	sld [smem:$0x3FAB]  }
0x28: {  	s2 =	sld [smem:$0x3FAC]  }
0x29: {  	s4 =	sld [smem:$0x3FAE]  }
0x2a: {  	p0 =	seq.s32 s5, $0x0;
	s5 =	sld [smem:$0x3FAF]  }
0x2b: {  	s6 =	sld [smem:$0x3FB0]  }
0x2c: {  	s7 =	sld [smem:$0x3FB1]  }
0x2d: {  	s3 =	simm.s32 $0x108;
	s8 =	sld [smem:$0x3FB2]  }
0x2e: {  	s3 =	simm.s32 @!p0 $0x1082;
	s9 =	sld [smem:$0x3FB3]  }
0x2f: {  	lr =	sadd.s32 s0, s3;
	s0 =	sld [smem:$0x3FAA]  }
0x30: {  	s3 =	sld [smem:$0x3FAD]  }
0x31: {  	[smem:$0x3FB6] =	sst s10  }
0x32: {  	s10 =	sld [smem:$0x3FB4];
	_ =	sdelay $0x3  }
0x33: {  	p0 =	seq.s32 s10, $0x1;
	s10 =	sld [smem:$0x3FB6];
	_ =	sdelay $0x3  }
0x34: {  	[smem:$0x3FB6] =	sst s10  }
0x35: {  	s10 =	sld [smem:$0x3FB5];
	_ =	sdelay $0x3  }
0x36: {  	p1 =	seq.s32 s10, $0x1;
	s10 =	sld [smem:$0x3FB6];
	_ =	sdelay $0x3  }
0x37: {  	[smem:$0x3FB6] =	sst s10  }
0x38: {  	s10 =	sld [smem:$0x3FB7]  }
0x39: {  	_ = 	snop;
	(pc) =	sbr.ind lr, $3  }
0x3a: {  	_ = 	snop  }
0x3b: {  	_ = 	snop  }
0x3c: {  	p2 =	seq.s32 s10, $0x1;
	s10 =	sld [smem:$0x3FB6]  }
0x3d: {  	_ =	shalt  }
0x3e: {  	_ =	shalt  }
0x3f: {  	_ =	shalt  }
0x40: {  	_ =	shalt  }
0x41: {  	_ =	shalt  }
0x42: {  	_ =	shalt  }
0x43: {  	_ =	shalt  }
0x44: {  	_ =	shalt  }
0x45: {  	_ =	shalt  }
0x46: {  	_ =	shalt  }
0x47: {  	_ =	shalt  }
0x48: {  	_ =	shalt  }
0x49: {  	_ =	shalt  }
0x4a: {  	_ =	shalt  }
0x4b: {  	_ =	shalt  }
0x4c: {  	_ =	shalt  }
0x4d: {  	_ =	shalt  }
0x4e: {  	_ =	shalt  }
0x4f: {  	_ =	shalt  }
0x50: {  	_ =	shalt  }
0x51: {  	_ =	shalt  }
0x52: {  	_ =	shalt  }
0x53: {  	_ =	shalt  }
0x54: {  	_ =	shalt  }
0x55: {  	_ =	shalt  }
0x56: {  	_ =	shalt  }
0x57: {  	_ =	shalt  }
0x58: {  	_ =	shalt  }
0x59: {  	_ =	shalt  }
0x5a: {  	_ =	shalt  }
0x5b: {  	_ =	shalt  }
0x5c: {  	_ =	shalt  }
0x5d: {  	_ =	shalt  }
0x5e: {  	_ =	shalt  }
0x5f: {  	_ =	shalt  }
0x60: {  	_ =	shalt  }
0x61: {  	_ =	shalt  }
0x62: {  	_ =	shalt  }
0x63: {  	_ =	shalt  }
0x64: {  	_ =	shalt  }
0x65: {  	_ =	shalt  }
0x66: {  	_ =	shalt  }
0x67: {  	_ =	shalt  }
0x68: {  	_ =	shalt  }
0x69: {  	_ =	shalt  }
0x6a: {  	_ =	shalt  }
0x6b: {  	_ =	shalt  }
0x6c: {  	_ =	shalt  }
0x6d: {  	_ =	shalt  }
0x6e: {  	_ =	shalt  }
0x6f: {  	_ =	shalt  }
0x70: {  	_ =	shalt  }
0x71: {  	_ =	shalt  }
0x72: {  	_ =	shalt  }
0x73: {  	_ =	shalt  }
0x74: {  	_ =	shalt  }
0x75: {  	_ =	shalt  }
0x76: {  	_ =	shalt  }
0x77: {  	_ =	shalt  }
0x78: {  	_ =	shalt  }
0x79: {  	_ =	shalt  }
0x7a: {  	_ =	shalt  }
0x7b: {  	_ =	shalt  }
0x7c: {  	_ =	shalt  }
0x7d: {  	_ =	shalt  }
0x7e: {  	_ =	shalt  }
0x7f: {  	_ =	shalt  }
0x80: {  	_ =	shalt  }
0x81: {  	_ =	shalt  }
0x82: {  	_ =	shalt  }
0x83: {  	_ =	shalt  }
0x84: {  	_ =	shalt  }
0x85: {  	_ =	shalt  }
0x86: {  	_ =	shalt  }
0x87: {  	_ =	shalt  }
.Lfunc_end0:
.L_simem_size_0:
called_computation.2_lowered:
.L_overlay_start_0:
0x88: {  	s2 =	sld [smem:$0x3FD9]  }
0x89: {  	s3 =	sld [smem:$0x3FFE];
	_ =	sdelay $0x1  }
0x8a: {  	s1 =	srdreg.scid  }
0x8b: {  	s0 =	sand.u32 $0x1, s1  }
0x8c: {  	s16 =	sshll.u32 s0, $0xA;
	s2 =	sadd.s32 s3, s2  }
0x8d: {  	s2 =	sadd.s32 s2, s16  }
0x8e: {  	[smem:$0x3FC2] =	sst s2  }
0x8f: {  	_ = 	snop  }
0x90: {  	(tm) =	ssettm $0x1  }
0x91: {  	s17 =	sld [smem:$0x3FFB];
	_ =	sdelay $0x3  }
0x92: {  	_ =	strace s17  }
0x93: {  	s2 =	sld [smem:$0x3FFC];
	_ =	sdelay $0x3  }
0x94: {  	_ =	strace s2  }
0x95: {  	s2 =	sld [smem:$0x3FFD];
	_ =	sdelay $0x3  }
0x96: {  	_ =	strace s2  }
0x97: {  	_ =	strace $0x8FFFFFFF  }
0x98: {  	s18 =	sld [smem:$0x3FDB];
	_ =	sdelay $0x1  }
0x99: {  	s19 =	simm.s32 $_scs_section_size  }
0x9a: {  	s4 =	simm.s32 $_size__tile_overlayer_lowered;
	s5 =	simm.s32 $_tile_overlayer_lowered  }
0x9b: {  	s22 =	simm.s32 $0x1BFF;
	s21 =	sshll.u32 s5, $0x1;
	s2 =	sadd.s32 s19, s18  }
0x9c: {  	s6 =	simm.s32 $0x0;
	s20 =	sshll.u32 s4, $0x1;
	s4 =	sadd.s32 s21, s2  }
0x9d: {  	[timem:s6], [sflag:s22] =	dma.local [hbm:s4], s20  }
0x9e: {  	_ =	swait.ge [sflag:s22], s20  }
0x9f: {  	s3 =	ssub.s32 $0x0, s20;
	[sflag:s22] =	ssyncset.done $0x0  }
0xa0: {  	[sflag:s22] =	ssyncadd.s32 s3;
	_ =	sdelay $0x1  }
0xa1: {  	s23 =	simm.s32 $0x1B8B  }
0xa2: {  	_ =	swait.ge [sflag:s23], $0x1  }
0xa3: {  	[sflag:s23] =	ssyncset.done $0x0  }
0xa4: {  	s25 =	simm.s32 $0x1B8E;
	s24 =	sld [smem:$0x3FFE];
	[sflag:s23] =	ssyncadd.s32 $0xFFFFFFFF  }
0xa5: {  	s26 =	simm.s32 $execute0_lowered;
	[smem:$0x3FD2] =	sst s25  }
0xa6: {  	s4 =	sshll.u32 s26, $0x1;
	_ =	strace $0x8000004C;
	[dreg:$0x1] =	wrdreg $0xFFFFFFFF  }
0xa7: {  	s28 =	simm.s32 $_size_execute0_lowered;
	s2 =	sadd.s32 s2, s4;
	[dreg:$0x0] =	wrdreg $0x0  }
0xa8: {  	s4 =	sshll.u32 s28, $0x1;
	[dreg:$0x2] =	wrdreg s2  }
0xa9: {  	[dreg:$0x3] =	wrdreg s4  }
0xaa: {  	[dreg:$0x4] =	wrdreg $0xC0  }
0xab: {  	_ =	task [dreg:s6], $0x5FFFF  }
0xac: {  	[dreg:$0x1] =	wrdreg $0xFFFFFFFF  }
0xad: {  	[dreg:$0x0] =	wrdreg $0x60  }
0xae: {  	[dreg:$0x2] =	wrdreg s24  }
0xaf: {  	[dreg:$0x3] =	wrdreg $0xA8000  }
0xb0: {  	[dreg:$0x4] =	wrdreg $0x9  }
0xb1: {  	_ =	task.clear_ibuf [dreg:s6], $0x5FFFF;
	_ =	strace $0x9000004C  }
0xb2: {  	s29 =	simm.s32 $0x9;
	_ =	strace $0x8000004E  }
0xb3: {  	_ =	swait.ge [sflag:s29], $0x1  }
0xb4: {  	[sflag:s29] =	ssyncadd.s32 $0xFFFFFFFF  }
0xb5: {  	_ =	strace $0x9000004E  }
0xb6: {  	_ =	sfence  }
0xb7: {  	s30 =	sld [smem:$0x0];
	_ =	sdelay $0x2  }
0xb8: {  	s31 =	sshll.u32 s1, $0xD;
	s1 =	sshrl.u32 s1, $0x2  }
0xb9: {  	s3 =	sand.u32 $0x4000, s31;
	s1 =	sadd.s32 s1, s30  }
0xba: {  	s0 =	sor.u32 s3, s0;
	s1 =	sshll.u32 s1, $0x11  }
0xbb: {  	s0 =	sor.u32 s1, s0  }
0xbc: {  	s0 =	sadd.s32 $0x8F2B, s0  }
0xbd: {  	[sflag:s0] =	ssyncadd.remote.s32 $0x1  }
0xbe: {  	_ =	sfence.sel $0xFFFF  }
0xbf: {  	[dreg:$0x0] =	wrdreg $0xFFFFFFFF;
	(pc) =	sbr.abs _section_cstart, $3  }
0xc0: {  	[dreg:$0x1] =	wrdreg $0xFFFFFFFF  }
0xc1: {  	_ =	task.clear_ibuf [dreg:s6], $0x2FFFF;
	_ =	strace $0x9FFFFFFF  }
0xc2: {  	(tm) =	ssettm $0x7FFFFFFF  }
0xc3: {  	_ =	shalt  }
tec
execute0_lowered:
.L_overlay_start_1:
0x0: {  	(tag) =	ssettag $0x1  }
0x1: {  	s5 =	rddreg [dreg:$0x0]  }
0x2: {  	s2 =	rddreg [dreg:$0x1]  }
0x3: {  	s0 =	srdreg.scid;
	s1 =	rddreg [dreg:$0x2];
	s3 =	simm.s32 $0x0  }
0x4: {  	s14 =	simm.s32 $0x80;
	s15 =	simm.s32 $0x2800;
	s16 =	simm.s32 $0x6800  }
0x5: {  	s17 =	simm.s32 $0x1;
	s18 =	simm.s32 $0x2;
	s6 =	sand.u32 $0x1, s0  }
0x6: {  	s19 =	simm.s32 $0x1380;
	s0 =	stileid.u32;
	s4 =	smul.u32 $0x14000, s6  }
0x7: {  	s20 =	simm.s32 $0x2700;
	s21 =	simm.s32 $0x2780;
	s7 =	smul.u32 $0x1400, s0  }
0x8: {  	s22 =	simm.s32 $0x0;
	[smem:$0x7FF] =	sst s3;
	s28 =	smul.u32 $0xA000, s0  }
0x9: {  	s9 =	smul.u32 $0xA0000, s6;
	_ =	strace $0x8000004D;
	s6 =	ssub.s32 $0x2, s6  }
0xa: {  	s11 =	smul.u32 $0x28000, s0;
	s31 =	sshll.u32 s0, $0x6;
	s29 =	sshrl.u32 s6, $0x1  }
0xb: {  	s4 =	sadd.s32 s7, s4;
	s10 =	sshrl.u32 s28, $0x3;
	s7 =	sadd.s32 s28, s9  }
0xc: {  	s9 =	ssub.s32 s6, s29;
	s30 =	sshrl.u32 s11, $0x2;
	s11 =	simm.s32 $0x1400  }
0xd: {  	s8 =	sshrl.u32 s4, $0x3;
	s4 =	sadd.s32 $0x10800, s5;
	s7 =	sshrl.u32 s7, $0x3  }
0xe: {  	s10 =	sadd.s32 s10, s5;
	s13 =	sadd.s32 s30, s2;
	s9 =	smax.u32 s9, $0x1  }
0xf: {  	s8 =	sadd.s32 s8, s5;
	s12 =	sadd.s32 s7, s5;
	s7 =	sadd.s32 $0x72A00, s10  }
0x10: {  	s10 =	simm.s32 $0x3;
	s13 =	sshrl.u32 s13, $0x3;
	s5 =	sadd.s32 $0xB800, s8  }
0x11: {  	s6 =	sadd.s32 $0x6800, s8;
	s8 =	sadd.s32 $0x86A00, s12;
	s12 =	sor.u32 $0x1C03, s31  }
.LBB2_1:
0x12: {  	[tilespmem:s3], [sflag:$0x3] =	stream.linear.gather [hbm4b:s5+s3], $0x1400, $0x38;
	[tilespmem:$0x14800] =	vst v63  }
0x13: {  	_ =	swait.ge [sflag:s10], $0x1400  }
0x14: {  	[sflag:s10] =	ssyncset.done $0x0  }
0x15: {  	[sflag:s10] =	ssyncadd.s32 $0xFFFFEC00  }
0x16: {  	[tilespmem:s11], [sflag:$0x3] =	stream.linear.gather [hbm4b:s6+s3], $0x1400, $0x38;
	[tilespmem:$0x14800] =	vst v63  }
0x17: {  	_ =	swait.ge [sflag:s10], $0x1400  }
0x18: {  	[sflag:s10] =	ssyncset.done $0x0  }
0x19: {  	[sflag:s10] =	ssyncadd.s32 $0xFFFFEC00  }
0x1a: {  	[spmem:s13], [sflag:s12] =	dma.local [hbm:s7], $0x1400  }
0x1b: {  	_ =	swait.ge [sflag:s10], $0x1400  }
0x1c: {  	[sflag:s10] =	ssyncset.done $0x0  }
0x1d: {  	[sflag:s10] =	ssyncadd.s32 $0xFFFFEC00  }
0x1e: {  	[bflag:$0x0] =	sbarrier.arrive $0xFFFF  }
0x1f: {  	[tilespmem:s15], [sflag:$0x1] =	stream.indirect.gather [hbm4b:s4+s14], $0x80, s3, s14, $0xb8;
	[tilespmem:$0x14800] =	vst v63  }
0x20: {  	s23 =	simm.s32 $0x80  }
0x21: {  	[tilespmem:s16], [sflag:$0x2] =	stream.indirect.gather [hbm4b:s4+s14], $0x80, s23, s14, $0xb8;
	[tilespmem:$0x14800] =	vst v63  }
0x22: {  	_ =	swait.ge [sflag:s17], $0x4000  }
0x23: {  	[sflag:s17] =	ssyncset.done $0x0  }
0x24: {  	s29 =	simm.s32 $0x1400;
	[sflag:s17] =	ssyncadd.s32 $0xFFFFC000  }
0x25: {  	[spmem:s2] =	stream.indirect.scatter.add.f32 [tilespmem:s15], [sflag:$0x3], $0x80, s29, s14, $0xb8;
	[tilespmem:$0x14800] =	vst v63  }
0x26: {  	_ =	swait.ge [sflag:s10], $0x4000  }
0x27: {  	[sflag:s10] =	ssyncset.done $0x0  }
0x28: {  	s30 =	simm.s32 $0x100;
	[sflag:s10] =	ssyncadd.s32 $0xFFFFC000  }
0x29: {  	[tilespmem:s15], [sflag:$0x1] =	stream.indirect.gather [hbm4b:s4+s14], $0x80, s30, s14, $0xb8;
	[tilespmem:$0x14800] =	vst v63  }
0x2a: {  	_ =	swait.ge [sflag:s18], $0x4000  }
0x2b: {  	[sflag:s18] =	ssyncset.done $0x0  }
0x2c: {  	s31 =	simm.s32 $0x1480;
	[sflag:s18] =	ssyncadd.s32 $0xFFFFC000  }
0x2d: {  	[spmem:s2] =	stream.indirect.scatter.add.f32 [tilespmem:s16], [sflag:$0x3], $0x80, s31, s14, $0xb8;
	[tilespmem:$0x14800] =	vst v63  }
0x2e: {  	_ =	swait.ge [sflag:s10], $0x4000  }
0x2f: {  	s24 =	simm.s32 $0x800;
	s23 =	simm.s32 $0x100;
	[sflag:s10] =	ssyncset.done $0x0  }
.LBB2_2:
0x30: {  	s25 =	sadd.s32 $0x80, s23  }
0x31: {  	[sflag:s10] =	ssyncadd.s32 $0xFFFFC000;
	s26 =	smov.u32 s24;
	s28 =	sadd.s32 $0x400, s24  }
0x32: {  	[tilespmem:s16], [sflag:$0x2] =	stream.indirect.gather [hbm4b:s4+s14], $0x80, s25, s14, $0xb8;
	[tilespmem:$0x14800] =	vst v63  }
0x33: {  	p0 =	sne.s32 s24, $0x4800;
	_ =	swait.ge [sflag:s17], $0x4000  }
0x34: {  	[sflag:s17] =	ssyncset.done $0x0  }
0x35: {  	s24 =	sadd.s32 $0x1400, s23;
	[sflag:s17] =	ssyncadd.s32 $0xFFFFC000  }
0x36: {  	[spmem:s2] =	stream.indirect.scatter.add.f32 [tilespmem:s15], [sflag:$0x3], $0x80, s24, s14, $0xb8;
	[tilespmem:$0x14800] =	vst v63  }
0x37: {  	_ =	swait.ge [sflag:s10], $0x4000  }
0x38: {  	[sflag:s10] =	ssyncset.done $0x0  }
0x39: {  	s24 =	sadd.s32 $0x100, s23;
	[sflag:s10] =	ssyncadd.s32 $0xFFFFC000  }
0x3a: {  	[tilespmem:s15], [sflag:$0x1] =	stream.indirect.gather [hbm4b:s4+s14], $0x80, s24, s14, $0xb8;
	[tilespmem:$0x14800] =	vst v63  }
0x3b: {  	_ =	swait.ge [sflag:s18], $0x4000  }
.Ltmp0:
0x3c: {  	[sflag:s18] =	ssyncset.done $0x0;
	(pc) =	sbr.rel @p0 .LBB2_2-.Ltmp0, $4  }
0x3d: {  	s23 =	sadd.s32 $0x1480, s23;
	[sflag:s18] =	ssyncadd.s32 $0xFFFFC000  }
0x3e: {  	[spmem:s2] =	stream.indirect.scatter.add.f32 [tilespmem:s16], [sflag:$0x3], $0x80, s23, s14, $0xb8;
	[tilespmem:$0x14800] =	vst v63  }
0x3f: {  	_ =	swait.ge [sflag:s10], $0x4000  }
0x40: {  	s24 =	smov.u32 s28;
	s23 =	sshra.s32 s26, $0x2;
	[sflag:s10] =	ssyncset.done $0x0  }
0x41: {  	s24 =	sadd.s32 $0x80, s23;
	[sflag:s10] =	ssyncadd.s32 $0xFFFFC000  }
0x42: {  	[tilespmem:s16], [sflag:$0x2] =	stream.indirect.gather [hbm4b:s4+s14], $0x80, s24, s14, $0xb8;
	[tilespmem:$0x14800] =	vst v63  }
0x43: {  	_ =	swait.ge [sflag:s17], $0x4000  }
0x44: {  	[sflag:s17] =	ssyncset.done $0x0  }
0x45: {  	s29 =	sadd.s32 $0x1400, s23;
	[sflag:s17] =	ssyncadd.s32 $0xFFFFC000  }
0x46: {  	[spmem:s2] =	stream.indirect.scatter.add.f32 [tilespmem:s15], [sflag:$0x3], $0x80, s29, s14, $0xb8;
	[tilespmem:$0x14800] =	vst v63  }
0x47: {  	_ =	swait.ge [sflag:s10], $0x4000  }
0x48: {  	[sflag:s10] =	ssyncset.done $0x0  }
0x49: {  	s30 =	sadd.s32 $0x100, s23;
	[sflag:s10] =	ssyncadd.s32 $0xFFFFC000  }
0x4a: {  	[tilespmem:s15], [sflag:$0x1] =	stream.indirect.gather [hbm4b:s4+s14], $0x80, s30, s14, $0xb8;
	[tilespmem:$0x14800] =	vst v63  }
0x4b: {  	_ =	swait.ge [sflag:s18], $0x4000  }
0x4c: {  	[sflag:s18] =	ssyncset.done $0x0  }
0x4d: {  	s31 =	sadd.s32 $0x1480, s23;
	[sflag:s18] =	ssyncadd.s32 $0xFFFFC000  }
0x4e: {  	[spmem:s2] =	stream.indirect.scatter.add.f32 [tilespmem:s16], [sflag:$0x3], $0x80, s31, s14, $0xb8;
	[tilespmem:$0x14800] =	vst v63  }
0x4f: {  	_ =	swait.ge [sflag:s10], $0x4000  }
0x50: {  	[sflag:s10] =	ssyncset.done $0x0  }
0x51: {  	[sflag:s10] =	ssyncadd.s32 $0xFFFFC000  }
0x52: {  	[tilespmem:s16], [sflag:$0x2] =	stream.indirect.gather [hbm4b:s4+s14], $0x80, s19, s14, $0xb8;
	[tilespmem:$0x14800] =	vst v63  }
0x53: {  	_ =	swait.ge [sflag:s17], $0x4000  }
0x54: {  	[sflag:s17] =	ssyncset.done $0x0  }
0x55: {  	[sflag:s17] =	ssyncadd.s32 $0xFFFFC000  }
0x56: {  	[spmem:s2] =	stream.indirect.scatter.add.f32 [tilespmem:s15], [sflag:$0x3], $0x80, s20, s14, $0xb8;
	[tilespmem:$0x14800] =	vst v63  }
0x57: {  	_ =	swait.ge [sflag:s10], $0x4000  }
0x58: {  	[sflag:s10] =	ssyncset.done $0x0  }
0x59: {  	[sflag:s10] =	ssyncadd.s32 $0xFFFFC000  }
0x5a: {  	_ =	swait.ge [sflag:s18], $0x4000  }
0x5b: {  	[sflag:s18] =	ssyncset.done $0x0  }
0x5c: {  	[sflag:s18] =	ssyncadd.s32 $0xFFFFC000  }
0x5d: {  	[spmem:s2] =	stream.indirect.scatter.add.f32 [tilespmem:s16], [sflag:$0x3], $0x80, s21, s14, $0xb8;
	[tilespmem:$0x14800] =	vst v63  }
0x5e: {  	_ =	swait.ge [sflag:s10], $0x4000  }
0x5f: {  	s22 =	sadd.s32 $0x1, s22;
	[sflag:s10] =	ssyncset.done $0x0  }
0x60: {  	p0 =	sne.s32 s22, s9;
	[sflag:s10] =	ssyncadd.s32 $0xFFFFC000  }
.Ltmp1:
0x61: {  	[bflag:$0x0] =	sbarrier.arrive $0xFFFF;
	(pc) =	sbr.rel @p0 .LBB2_1-.Ltmp1, $4  }
0x62: {  	[hbm:s8], [sflag:s12] =	dma.local [spmem:s13], $0x1400  }
0x63: {  	_ =	swait.ge [sflag:s10], $0x1400  }
0x64: {  	[sflag:s10] =	ssyncset.done $0x0  }
0x65: {  	[sflag:s10] =	ssyncadd.s32 $0xFFFFEC00  }
0x66: {  	_ =	sfence.sel $0x180000  }
0x67: {  	[bflag:$0x0] =	sbarrier.arrive $0xFFFF  }
0x68: {  	p0 =	sne.s32 s0, $0x0;
	_ =	strace $0x9000004D  }
0x69: {  	s0 =	sadd.s32 @!p0 $0x100000, s1;
	[bflag:$0x2] =	sbarrier.arrive $0xFFFF  }
0x6a: {  	[sflag:s0] =	ssyncadd.tile.s32 @!p0 $0x1;
	_ =	shalt  }
.Lfunc_end2:
_tile_overlayer_lowered:
.L_overlay_start_2:
0x6b: {  	(tag) =	ssettag $0x2  }
0x6c: {  	s0 =	rddreg [dreg:$0x0];
	s2 =	stileid.u32  }
0x6d: {  	s1 =	rddreg [dreg:$0x1];
	p0 =	sne.s32 s2, $0x0  }
0x6e: {  	s3 =	rddreg [dreg:$0x2];
	[bflag:$0x3] =	sbarrier.arrive $0xFFFF;
	s2 =	simm.s32 @!p0 $0x1C03  }
0x6f: {  	[timem:s3], [sflag:s2] =	dma.local @!p0 [hbm:s0], s1  }
0x70: {  	s0 =	simm.s32 @!p0 $0x3  }
0x71: {  	_ =	swait.ge @!p0 [sflag:s0], s1  }
0x72: {  	s1 =	ssub.s32 @!p0 $0x0, s1;
	[sflag:s0] =	ssyncset.done @!p0 $0x0  }
0x73: {  	[sflag:s0] =	ssyncadd.s32 @!p0 s1  }
0x74: {  	[bflag:$0x3] =	sbarrier.arrive $0xFFFF  }
0x75: {  	_ =	shalt  }

// kernel: kernel.8.cloned.1.call-start
scs
__scs_entry_jumppad:
0x0: {  	(pc) =	sbr.rel $0x88, $3  }
0x1: {  	(tag) =	ssettag $0x0;
	lr =	simm.s32 $0x1  }
0x2: {  	[smem:$0x3F9B] =	sst lr;
	_ =	strace $0xD0000000  }
0x3: {  	_ = 	snop  }
0x4: {  	_ = 	snop  }
0x5: {  	_ = 	snop  }
0x6: {  	_ = 	snop  }
0x7: {  	_ = 	snop  }
__scs_overlays_trampoline_lowered:
0x8: {  	[smem:$0x3FAA] =	sst s0  }
0x9: {  	[smem:$0x3FAB] =	sst s1  }
0xa: {  	[smem:$0x3FAC] =	sst s2  }
0xb: {  	[smem:$0x3FAD] =	sst s3  }
0xc: {  	[smem:$0x3FAE] =	sst s4  }
0xd: {  	[smem:$0x3FAF] =	sst s5  }
0xe: {  	[smem:$0x3FB0] =	sst s6  }
0xf: {  	[smem:$0x3FB1] =	sst s7  }
0x10: {  	[smem:$0x3FB2] =	sst s8  }
0x11: {  	[smem:$0x3FB3] =	sst s9;
	s0 =	simm.s32 @!p0 $0x0  }
0x12: {  	s1 =	sld [smem:$0x3F99];
	s0 =	simm.s32 @p0 $0x1  }
0x13: {  	[smem:$0x3FB4] =	sst s0;
	s0 =	simm.s32 @!p1 $0x0  }
0x14: {  	s2 =	sld [smem:$0x3F98];
	s0 =	simm.s32 @p1 $0x1  }
0x15: {  	[smem:$0x3FB5] =	sst s0;
	s0 =	simm.s32 @!p2 $0x0  }
0x16: {  	s3 =	sld [smem:$0x3FDB];
	s0 =	simm.s32 @p2 $0x1  }
0x17: {  	s4 =	simm.s32 $0x1BF5;
	[smem:$0x3FB7] =	sst s0  }
0x18: {  	s0 =	sld [smem:$0x3F9A];
	_ =	swait.ge [sflag:s4], $0x0  }
0x19: {  	s7 =	sld [smem:$0x3F9B]  }
0x1a: {  	s8 =	sadd.s32 $0xFFFFE003, lr  }
0x1b: {  	s9 =	sadd.s32 $0xFFFFFEF7, lr;
	s5 =	simm.s32 $0xFFFFFFFF;
	p2 =	slt.u32 s8, $0xFFFFF086  }
0x1c: {  	p1 =	slt.u32 s9, $0xF7A;
	s5 =	simm.s32 @!p2 $0x0  }
0x1d: {  	s5 =	simm.s32 @p1 $0x1;
	p0 =	seq.s32 s7, s2  }
0x1e: {  	s7 =	smul.u32 @!p0 $0xF7A, s2;
	p2 =	seq.s32 @!p0 s5, $0x0  }
0x1f: {  	s9 =	smul.u32 $0xF7A, s1;
	s8 =	simm.s32 @!p0 $0x1BF5;
	p2 =	por !p2, p0  }
0x20: {  	[sflag:s8] =	ssyncset.s32 @!p0 $0xFFFFF086;
	s6 =	sadd.s32 @!p0 s3, s7;
	s7 =	simm.s32 @!p0 $0x108  }
0x21: {  	s3 =	sadd.s32 s3, s9;
	s6 =	sadd.s32 @!p0 $0x88, s6;
	s7 =	simm.s32 @p2 $0x1082  }
0x22: {  	[simem:s7], [sflag:s8] =	dma.local @!p0 [hbm:s6], $0xF7A  }
0x23: {  	s9 =	sor.u32 $0xD0000000, s2;
	s6 =	simm.s32 $0x108;
	_ =	swait.ge @!p0 [sflag:s8], $0x0  }
0x24: {  	s3 =	sadd.s32 $0x88, s3;
	s6 =	simm.s32 @!p1 $0x1082;
	[sflag:s4] =	ssyncset.s32 $0xFFFFF086  }
0x25: {  	[simem:s6], [sflag:s4] =	dma.local [hbm:s3], $0xF7A  }
0x26: {  	[smem:$0x3F9B] =	sst s1;
	(tag) =	ssettag s2;
	_ =	strace s9  }
0x27: {  	s1 =	sld [smem:$0x3FAB]  }
0x28: {  	s2 =	sld [smem:$0x3FAC]  }
0x29: {  	s4 =	sld [smem:$0x3FAE]  }
0x2a: {  	p0 =	seq.s32 s5, $0x0;
	s5 =	sld [smem:$0x3FAF]  }
0x2b: {  	s6 =	sld [smem:$0x3FB0]  }
0x2c: {  	s7 =	sld [smem:$0x3FB1]  }
0x2d: {  	s3 =	simm.s32 $0x108;
	s8 =	sld [smem:$0x3FB2]  }
0x2e: {  	s3 =	simm.s32 @!p0 $0x1082;
	s9 =	sld [smem:$0x3FB3]  }
0x2f: {  	lr =	sadd.s32 s0, s3;
	s0 =	sld [smem:$0x3FAA]  }
0x30: {  	s3 =	sld [smem:$0x3FAD]  }
0x31: {  	[smem:$0x3FB6] =	sst s10  }
0x32: {  	s10 =	sld [smem:$0x3FB4];
	_ =	sdelay $0x3  }
0x33: {  	p0 =	seq.s32 s10, $0x1;
	s10 =	sld [smem:$0x3FB6];
	_ =	sdelay $0x3  }
0x34: {  	[smem:$0x3FB6] =	sst s10  }
0x35: {  	s10 =	sld [smem:$0x3FB5];
	_ =	sdelay $0x3  }
0x36: {  	p1 =	seq.s32 s10, $0x1;
	s10 =	sld [smem:$0x3FB6];
	_ =	sdelay $0x3  }
0x37: {  	[smem:$0x3FB6] =	sst s10  }
0x38: {  	s10 =	sld [smem:$0x3FB7]  }
0x39: {  	_ = 	snop;
	(pc) =	sbr.ind lr, $3  }
0x3a: {  	_ = 	snop  }
0x3b: {  	_ = 	snop  }
0x3c: {  	p2 =	seq.s32 s10, $0x1;
	s10 =	sld [smem:$0x3FB6]  }
0x3d: {  	_ =	shalt  }
0x3e: {  	_ =	shalt  }
0x3f: {  	_ =	shalt  }
0x40: {  	_ =	shalt  }
0x41: {  	_ =	shalt  }
0x42: {  	_ =	shalt  }
0x43: {  	_ =	shalt  }
0x44: {  	_ =	shalt  }
0x45: {  	_ =	shalt  }
0x46: {  	_ =	shalt  }
0x47: {  	_ =	shalt  }
0x48: {  	_ =	shalt  }
0x49: {  	_ =	shalt  }
0x4a: {  	_ =	shalt  }
0x4b: {  	_ =	shalt  }
0x4c: {  	_ =	shalt  }
0x4d: {  	_ =	shalt  }
0x4e: {  	_ =	shalt  }
0x4f: {  	_ =	shalt  }
0x50: {  	_ =	shalt  }
0x51: {  	_ =	shalt  }
0x52: {  	_ =	shalt  }
0x53: {  	_ =	shalt  }
0x54: {  	_ =	shalt  }
0x55: {  	_ =	shalt  }
0x56: {  	_ =	shalt  }
0x57: {  	_ =	shalt  }
0x58: {  	_ =	shalt  }
0x59: {  	_ =	shalt  }
0x5a: {  	_ =	shalt  }
0x5b: {  	_ =	shalt  }
0x5c: {  	_ =	shalt  }
0x5d: {  	_ =	shalt  }
0x5e: {  	_ =	shalt  }
0x5f: {  	_ =	shalt  }
0x60: {  	_ =	shalt  }
0x61: {  	_ =	shalt  }
0x62: {  	_ =	shalt  }
0x63: {  	_ =	shalt  }
0x64: {  	_ =	shalt  }
0x65: {  	_ =	shalt  }
0x66: {  	_ =	shalt  }
0x67: {  	_ =	shalt  }
0x68: {  	_ =	shalt  }
0x69: {  	_ =	shalt  }
0x6a: {  	_ =	shalt  }
0x6b: {  	_ =	shalt  }
0x6c: {  	_ =	shalt  }
0x6d: {  	_ =	shalt  }
0x6e: {  	_ =	shalt  }
0x6f: {  	_ =	shalt  }
0x70: {  	_ =	shalt  }
0x71: {  	_ =	shalt  }
0x72: {  	_ =	shalt  }
0x73: {  	_ =	shalt  }
0x74: {  	_ =	shalt  }
0x75: {  	_ =	shalt  }
0x76: {  	_ =	shalt  }
0x77: {  	_ =	shalt  }
0x78: {  	_ =	shalt  }
0x79: {  	_ =	shalt  }
0x7a: {  	_ =	shalt  }
0x7b: {  	_ =	shalt  }
0x7c: {  	_ =	shalt  }
0x7d: {  	_ =	shalt  }
0x7e: {  	_ =	shalt  }
0x7f: {  	_ =	shalt  }
0x80: {  	_ =	shalt  }
0x81: {  	_ =	shalt  }
0x82: {  	_ =	shalt  }
0x83: {  	_ =	shalt  }
0x84: {  	_ =	shalt  }
0x85: {  	_ =	shalt  }
0x86: {  	_ =	shalt  }
0x87: {  	_ =	shalt  }
.Lfunc_end0:
.L_simem_size_0:
called_computation_lowered:
.L_overlay_start_0:
0x88: {  	s2 =	sld [smem:$0x3FD9]  }
0x89: {  	s3 =	sld [smem:$0x3FFE];
	_ =	sdelay $0x1  }
0x8a: {  	s1 =	srdreg.scid  }
0x8b: {  	s0 =	sand.u32 $0x1, s1  }
0x8c: {  	s16 =	sshll.u32 s0, $0xA;
	s2 =	sadd.s32 s3, s2  }
0x8d: {  	s2 =	sadd.s32 s2, s16  }
0x8e: {  	[smem:$0x3FC2] =	sst s2  }
0x8f: {  	_ = 	snop  }
0x90: {  	(tm) =	ssettm $0x1  }
0x91: {  	s17 =	sld [smem:$0x3FFB];
	_ =	sdelay $0x3  }
0x92: {  	_ =	strace s17  }
0x93: {  	s2 =	sld [smem:$0x3FFC];
	_ =	sdelay $0x3  }
0x94: {  	_ =	strace s2  }
0x95: {  	s2 =	sld [smem:$0x3FFD];
	_ =	sdelay $0x3  }
0x96: {  	_ =	strace s2  }
0x97: {  	_ =	strace $0x8FFFFFFF  }
0x98: {  	s18 =	sld [smem:$0x3FDB];
	_ =	sdelay $0x1  }
0x99: {  	s19 =	simm.s32 $_scs_section_size  }
0x9a: {  	s4 =	simm.s32 $_size__tile_overlayer_lowered;
	s5 =	simm.s32 $_tile_overlayer_lowered  }
0x9b: {  	s22 =	simm.s32 $0x1BFF;
	s21 =	sshll.u32 s5, $0x1;
	s2 =	sadd.s32 s19, s18  }
0x9c: {  	s6 =	simm.s32 $0x0;
	s20 =	sshll.u32 s4, $0x1;
	s4 =	sadd.s32 s21, s2  }
0x9d: {  	[timem:s6], [sflag:s22] =	dma.local [hbm:s4], s20  }
0x9e: {  	_ =	swait.ge [sflag:s22], s20  }
0x9f: {  	s3 =	ssub.s32 $0x0, s20;
	[sflag:s22] =	ssyncset.done $0x0  }
0xa0: {  	[sflag:s22] =	ssyncadd.s32 s3;
	_ =	sdelay $0x1  }
0xa1: {  	s23 =	simm.s32 $0x1B8B  }
0xa2: {  	_ =	swait.ge [sflag:s23], $0x1  }
0xa3: {  	[sflag:s23] =	ssyncset.done $0x0  }
0xa4: {  	s25 =	simm.s32 $0x1B8E;
	s24 =	sld [smem:$0x3FFE];
	[sflag:s23] =	ssyncadd.s32 $0xFFFFFFFF  }
0xa5: {  	s26 =	simm.s32 $execute0_lowered;
	[smem:$0x3FD2] =	sst s25  }
0xa6: {  	s4 =	sshll.u32 s26, $0x1;
	_ =	strace $0x80000046;
	[dreg:$0x1] =	wrdreg $0xFFFFFFFF  }
0xa7: {  	s28 =	simm.s32 $_size_execute0_lowered;
	s2 =	sadd.s32 s2, s4;
	[dreg:$0x0] =	wrdreg $0x0  }
0xa8: {  	s4 =	sshll.u32 s28, $0x1;
	[dreg:$0x2] =	wrdreg s2  }
0xa9: {  	[dreg:$0x3] =	wrdreg s4  }
0xaa: {  	[dreg:$0x4] =	wrdreg $0xC0  }
0xab: {  	_ =	task [dreg:s6], $0x5FFFF  }
0xac: {  	[dreg:$0x1] =	wrdreg $0xFFFFFFFF  }
0xad: {  	[dreg:$0x0] =	wrdreg $0x60  }
0xae: {  	[dreg:$0x2] =	wrdreg s24  }
0xaf: {  	[dreg:$0x3] =	wrdreg $0x41000  }
0xb0: {  	[dreg:$0x4] =	wrdreg $0x9  }
0xb1: {  	_ =	task.clear_ibuf [dreg:s6], $0x5FFFF;
	_ =	strace $0x90000046  }
0xb2: {  	s29 =	simm.s32 $0x9;
	_ =	strace $0x80000048  }
0xb3: {  	_ =	swait.ge [sflag:s29], $0x1  }
0xb4: {  	[sflag:s29] =	ssyncadd.s32 $0xFFFFFFFF  }
0xb5: {  	_ =	strace $0x90000048  }
0xb6: {  	_ =	sfence  }
0xb7: {  	s30 =	sld [smem:$0x0];
	_ =	sdelay $0x2  }
0xb8: {  	s31 =	sshll.u32 s1, $0xD;
	s1 =	sshrl.u32 s1, $0x2  }
0xb9: {  	s3 =	sand.u32 $0x4000, s31;
	s1 =	sadd.s32 s1, s30  }
0xba: {  	s0 =	sor.u32 s3, s0;
	s1 =	sshll.u32 s1, $0x11  }
0xbb: {  	s0 =	sor.u32 s1, s0  }
0xbc: {  	s0 =	sadd.s32 $0x8F2B, s0  }
0xbd: {  	[sflag:s0] =	ssyncadd.remote.s32 $0x1  }
0xbe: {  	_ =	sfence.sel $0xFFFF  }
0xbf: {  	[dreg:$0x0] =	wrdreg $0xFFFFFFFF;
	(pc) =	sbr.abs _section_cstart, $3  }
0xc0: {  	[dreg:$0x1] =	wrdreg $0xFFFFFFFF  }
0xc1: {  	_ =	task.clear_ibuf [dreg:s6], $0x2FFFF;
	_ =	strace $0x9FFFFFFF  }
0xc2: {  	(tm) =	ssettm $0x7FFFFFFF  }
0xc3: {  	_ =	shalt  }
tec
execute0_lowered:
.L_overlay_start_1:
0x0: {  	(tag) =	ssettag $0x1  }
0x1: {  	s4 =	rddreg [dreg:$0x0];
	s0 =	srdreg.scid  }
0x2: {  	s6 =	rddreg [dreg:$0x1];
	s1 =	stileid.u32  }
0x3: {  	s2 =	simm.s32 $0x0;
	s12 =	simm.s32 $0x400;
	s13 =	simm.s32 $0x3E80  }
0x4: {  	s14 =	simm.s32 $0x3C00;
	s15 =	simm.s32 $0x100;
	s7 =	smul.u32 $0x280, s1  }
0x5: {  	s5 =	sand.u32 $0x1, s0;
	s0 =	rddreg [dreg:$0x2];
	s28 =	smul.u32 $0x500, s1  }
0x6: {  	s16 =	simm.s32 $0x0;
	[smem:$0x7FF] =	sst s2;
	s30 =	smul.u32 $0x5000, s1  }
0x7: {  	s29 =	sshrl.u32 s1, $0x3;
	s31 =	sshll.u32 s1, $0x7;
	s3 =	smul.u32 $0x2800, s5  }
0x8: {  	_ =	strace $0x80000047;
	s9 =	sshll.u32 s5, $0x7;
	s5 =	ssub.s32 $0x2, s5  }
0x9: {  	s10 =	sshrl.u32 s5, $0x1;
	s11 =	sshrl.u32 s30, $0x2;
	s3 =	sadd.s32 s7, s3  }
0xa: {  	s7 =	sor.u32 s9, s28;
	s9 =	smul.u32 $0x50000, s29;
	s10 =	ssub.s32 s5, s10  }
0xb: {  	s8 =	sadd.s32 s3, s4;
	s3 =	sadd.s32 $0x10800, s4;
	s7 =	sshrl.u32 s7, $0x3  }
0xc: {  	s7 =	sadd.s32 s7, s4;
	s4 =	sadd.s32 $0x1800, s8;
	s9 =	sshrl.u32 s9, $0x2  }
0xd: {  	s8 =	sand.u32 $0x380, s31;
	s9 =	sadd.s32 s9, s6;
	s6 =	sadd.s32 s11, s6  }
0xe: {  	s7 =	sadd.s32 $0x10E00, s7;
	s11 =	simm.s32 $0x80;
	s5 =	sadd.s32 s8, s9  }
0xf: {  	v0 =	vimm.f32 $1.000000000e+00;
	s8 =	smax.u32 s10, $0x1;
	s9 =	simm.s32 $0x1;
	s10 =	simm.s32 $0x1400  }
.LBB2_1:
0x10: {  	[tilespmem:s2], [sflag:$0x1] =	stream.linear.gather [hbm4b:s4+s2], $0x1400, $0x38;
	[tilespmem:$0x6900] =	vst v63  }
0x11: {  	_ =	swait.ge [sflag:s9], $0x1400  }
0x12: {  	[sflag:s9] =	ssyncset.done $0x0  }
0x13: {  	[sflag:s9] =	ssyncadd.s32 $0xFFFFEC00  }
0x14: {  	[tilespmem:s10], [sflag:$0x1] =	stream.linear.gather [hbm4b:s3+s2], $0x2800, $0x38;
	[tilespmem:$0x6900] =	vst v63  }
0x15: {  	_ =	swait.ge [sflag:s9], $0x2800  }
0x16: {  	[sflag:s9] =	ssyncset.done $0x0  }
0x17: {  	s17 =	simm.s32 $0x0;
	[sflag:s9] =	ssyncadd.s32 $0xFFFFD800  }
.LBB2_2:
0x18: {  	s18 =	sshra.s32 s17, $0x2  }
0x19: {  	v1 =	vld [tilespmem:s18+$0x0];
	_ =	sdelay $0x7  }
0x1a: {  	[tilespmem:v1+s10+$0x0] =	vst.idx.add.f32.msk $0xffff, v0  }
0x1b: {  	v1 =	vld [tilespmem:s18+$0x10];
	_ =	sdelay $0x7  }
0x1c: {  	[tilespmem:v1+s10+$0x0] =	vst.idx.add.f32.msk $0xffff, v0  }
0x1d: {  	v1 =	vld [tilespmem:s18+$0x20];
	_ =	sdelay $0x7  }
0x1e: {  	[tilespmem:v1+s10+$0x0] =	vst.idx.add.f32.msk $0xffff, v0  }
0x1f: {  	v1 =	vld [tilespmem:s18+$0x30];
	_ =	sdelay $0x7  }
0x20: {  	[tilespmem:v1+s10+$0x0] =	vst.idx.add.f32.msk $0xffff, v0  }
0x21: {  	v1 =	vld [tilespmem:s18+$0x40];
	_ =	sdelay $0x7  }
0x22: {  	[tilespmem:v1+s10+$0x0] =	vst.idx.add.f32.msk $0xffff, v0  }
0x23: {  	v1 =	vld [tilespmem:s18+$0x50];
	_ =	sdelay $0x7  }
0x24: {  	[tilespmem:v1+s10+$0x0] =	vst.idx.add.f32.msk $0xffff, v0  }
0x25: {  	v1 =	vld [tilespmem:s18+$0x60];
	_ =	sdelay $0x7  }
0x26: {  	[tilespmem:v1+s10+$0x0] =	vst.idx.add.f32.msk $0xffff, v0  }
0x27: {  	v1 =	vld [tilespmem:s18+$0x70];
	_ =	sdelay $0x2  }
0x28: {  	p0 =	sne.s32 s17, $0x4E00  }
.Ltmp0:
0x29: {  	_ = 	snop;
	(pc) =	sbr.rel @p0 .LBB2_2-.Ltmp0, $2  }
0x2a: {  	_ =	sdelay $0x2  }
0x2b: {  	s17 =	sadd.s32 $0x200, s17;
	[tilespmem:v1+s10+$0x0] =	vst.idx.add.f32.msk $0xffff, v0  }
0x2c: {  	[spmem:s5] =	stream.strided.scatter [tilespmem:s10], [sflag:$0x1], $0x2800, s12, s11, $0x38;
	[tilespmem:$0x6900] =	vst v63  }
0x2d: {  	s17 =	simm.s32 $0x1  }
0x2e: {  	_ =	swait.ge [sflag:s17], $0x2800  }
0x2f: {  	[sflag:s17] =	ssyncset.done $0x0  }
0x30: {  	[sflag:s17] =	ssyncadd.s32 $0xFFFFD800  }
0x31: {  	[bflag:$0x0] =	sbarrier.arrive $0xFFFF  }
0x32: {  	[tilespmem:s13], [sflag:$0x1] =	stream.strided.gather [spmem:s6], $0x280, s12, s11, $0x38;
	[tilespmem:$0x6900] =	vst v63  }
0x33: {  	_ =	swait.ge [sflag:s17], $0x280  }
0x34: {  	[sflag:s17] =	ssyncset.done $0x0  }
0x35: {  	[sflag:s17] =	ssyncadd.s32 $0xFFFFFD80  }
.LBB2_4:
0x36: {  	s18 =	sshrl.u32 s17, $0x3  }
0x37: {  	s18 =	smul.u32 $0x50000, s18;
	_ =	sdelay $0x1  }
0x38: {  	s19 =	sshll.u32 s17, $0x7;
	s18 =	sshra.s32 s18, $0x2  }
0x39: {  	s19 =	sand.u32 $0x380, s19;
	s18 =	sadd.s32 s18, s6  }
0x3a: {  	s18 =	sadd.s32 s19, s18  }
0x3b: {  	[tilespmem:s14], [sflag:$0x1] =	stream.strided.gather [spmem:s18], $0x280, s12, s11, $0x38;
	[tilespmem:$0x6900] =	vst v63  }
0x3c: {  	_ =	swait.ge [sflag:s9], $0x280  }
0x3d: {  	[sflag:s9] =	ssyncset.done $0x0  }
0x3e: {  	s18 =	simm.s32 $0x0;
	[sflag:s9] =	ssyncadd.s32 $0xFFFFFD80  }
0x3f: {  	s19 =	simm.s32 $0x40;
	v1 =	vld [tilespmem:s18+$0x3C00]  }
.LBB2_5:
0x40: {  	p0 =	sne.s32 s19, $0x9C0;
	v2 =	vld [tilespmem:s18+$0x3E80];
	_ =	sdelay $0x2  }
.Ltmp1:
0x41: {  	(pc) =	sbr.rel @p0 .LBB2_5-.Ltmp1, $4  }
0x42: {  	_ = 	snop  }
0x43: {  	v2 =	vadd.f32 v1, v2  }
0x44: {  	s20 =	sshra.s32 s19, $0x2  }
0x45: {  	s19 =	sadd.s32 $0x40, s19;
	v1 =	vld [tilespmem:s20+$0x3C00];
	[tilespmem:s18+$0x3E80] =	vst v2;
	s18 =	smov.u32 s20  }
0x46: {  	v2 =	vld [tilespmem:s18+$0x3E80]  }
0x47: {  	s17 =	sadd.s32 $0x1, s17  }
0x48: {  	p0 =	sne.s32 s17, $0x10  }
.Ltmp2:
0x49: {  	_ = 	snop;
	(pc) =	sbr.rel @p0 .LBB2_4-.Ltmp2, $3  }
0x4a: {  	_ = 	snop  }
0x4b: {  	v1 =	vadd.f32 v1, v2;
	_ =	sdelay $0x1  }
0x4c: {  	[tilespmem:s18+$0x3E80] =	vst v1  }
0x4d: {  	s16 =	sadd.s32 $0x1, s16  }
0x4e: {  	p0 =	sne.s32 s16, s8  }
.Ltmp3:
0x4f: {  	_ = 	snop;
	(pc) =	sbr.rel @p0 .LBB2_1-.Ltmp3, $4  }
0x50: {  	[hbm4b:s7+s11] =	stream.strided.scatter [tilespmem:s13], [sflag:$0x1], $0x280, s15, s11, $0x38;
	[tilespmem:$0x6900] =	vst v63  }
0x51: {  	_ =	swait.ge [sflag:s9], $0x280  }
0x52: {  	[sflag:s9] =	ssyncset.done $0x0  }
0x53: {  	[sflag:s9] =	ssyncadd.s32 $0xFFFFFD80  }
0x54: {  	_ =	sfence.sel $0x180000  }
0x55: {  	[bflag:$0x0] =	sbarrier.arrive $0xFFFF  }
0x56: {  	p0 =	sne.s32 s1, $0x0;
	_ =	strace $0x90000047  }
0x57: {  	s0 =	sadd.s32 @!p0 $0x100000, s0;
	[bflag:$0x2] =	sbarrier.arrive $0xFFFF  }
0x58: {  	[sflag:s0] =	ssyncadd.tile.s32 @!p0 $0x1;
	_ =	shalt  }
.Lfunc_end2:
_tile_overlayer_lowered:
.L_overlay_start_2:
0x59: {  	(tag) =	ssettag $0x2  }
0x5a: {  	s0 =	rddreg [dreg:$0x0];
	s2 =	stileid.u32  }
0x5b: {  	s1 =	rddreg [dreg:$0x1];
	p0 =	sne.s32 s2, $0x0  }
0x5c: {  	s3 =	rddreg [dreg:$0x2];
	[bflag:$0x3] =	sbarrier.arrive $0xFFFF;
	s2 =	simm.s32 @!p0 $0x1C01  }
0x5d: {  	[timem:s3], [sflag:s2] =	dma.local @!p0 [hbm:s0], s1  }
0x5e: {  	s0 =	simm.s32 @!p0 $0x1  }
0x5f: {  	_ =	swait.ge @!p0 [sflag:s0], s1  }
0x60: {  	s1 =	ssub.s32 @!p0 $0x0, s1;
	[sflag:s0] =	ssyncset.done @!p0 $0x0  }
0x61: {  	[sflag:s0] =	ssyncadd.s32 @!p0 s1  }
0x62: {  	[bflag:$0x3] =	sbarrier.arrive $0xFFFF  }
0x63: {  	_ =	shalt  }

</sc_bundles>
